<compile_context>
chip_gen: v7x
topology: tpu7x:2x2x1
jax: 0.10.2.dev20260603
libtpu: 0.0.44.dev20260713+nightly
codegen_flags: <defaults>
</compile_context>

<pallas_src>
import functools

import jax
import jax.numpy as jnp
from jax import lax
from jax.experimental import pallas as pl
from jax.experimental.pallas import tpu as pltpu
from jax.experimental.pallas import tpu_sc as plsc

VOCAB = 32000
D_MODEL = 4096
NUM_DEV = 8
D_SLICE = D_MODEL // NUM_DEV

_NC = 2
_NS = 16
_NW = _NC * _NS

BATCH = 2
SEQ = 8192
TOKENS = BATCH * SEQ
ROWS = NUM_DEV * TOKENS
PT = ROWS // _NW
R = 64
NCH = PT // R
NBUF = 3
NFULL = (NCH // NBUF) * NBUF


def _body(table, idx, out, xv, bufs, gsems, wsems):
    c = lax.axis_index("c")
    s = lax.axis_index("s")
    wid = s * _NC + c
    base = wid * PT
    d = base // TOKENS
    tok = base - d * TOKENS
    bb = tok // SEQ
    sq = tok - bb * SEQ
    col = d * D_SLICE

    pltpu.sync_copy(idx.at[bb, pl.ds(sq, PT)], xv)

    def gather(i, b):
        return pltpu.make_async_copy(
            table.at[xv.at[pl.ds(i * R, R)], pl.ds(col, D_SLICE)],
            bufs[b], gsems[b],
        )

    def write(i, b):
        return pltpu.make_async_copy(
            bufs[b], out.at[d, bb, pl.ds(sq + i * R, R)], wsems[b]
        )

    for b in range(NBUF - 1):
        gather(b, b).start()

    def ring(i, carry):
        c0 = i * NBUF
        for b in range(NBUF):
            cc = c0 + b
            gather(cc, b).wait()
            write(cc, b).start()
            nb = (b + NBUF - 1) % NBUF

            @pl.when(cc + NBUF - 1 < NCH)
            def _(cc=cc, b=b, nb=nb):
                @pl.when(cc >= 1)
                def _():
                    write(cc - 1, nb).wait()

                gather(cc + NBUF - 1, nb).start()

        return carry

    lax.fori_loop(0, NFULL // NBUF, ring, 0)

    for cc in range(NFULL, NCH):
        b = cc % NBUF
        gather(cc, b).wait()
        write(cc, b).start()

    for b in range(NBUF):
        write(NCH - NBUF + b, (NCH - NBUF + b) % NBUF).wait()


@functools.partial(
    pl.kernel,
    out_type=jax.ShapeDtypeStruct((NUM_DEV, BATCH, SEQ, D_SLICE), jnp.float32),
    mesh=plsc.VectorSubcoreMesh(core_axis_name="c", subcore_axis_name="s"),
    scratch_types=[
        pltpu.VMEM((PT,), jnp.int32),
        [pltpu.VMEM((R, D_SLICE), jnp.float32) for _ in range(NBUF)],
        [pltpu.SemaphoreType.DMA for _ in range(NBUF)],
        [pltpu.SemaphoreType.DMA for _ in range(NBUF)],
    ],
)
def _emb_gather(table, idx, out, xv, bufs, gsems, wsems):
    _body(table, idx, out, xv, bufs, gsems, wsems)


def kernel(x, emb_weight):
    return _emb_gather(emb_weight, x)

# --- scband reference (transcript-rebuilt; emitter-appended) ---
"""Pipeline reference for scband-tt-llama-embedding-49684181680400 (READ-ONLY COPY).

The authoritative reference and input builder live on the scoring server;
editing this copy changes nothing except your own understanding.
"""

import jax, jax.numpy as jnp
import numpy as np

NUM_DEVICES = 8
VOCAB = 32000
D_MODEL = 4096
BATCH = 2
SEQ = 8192


def setup_inputs(seed: int = 0) -> dict:
    key = jax.random.key(seed)
    k1, k2 = jax.random.split(key)
    x = jax.random.randint(k1, (BATCH, SEQ), 0, VOCAB, dtype=jnp.int32)
    emb_weight = jax.random.normal(k2, (VOCAB, D_MODEL), dtype=jnp.float32) * 0.02
    return {"x": x, "emb_weight": emb_weight}


def reference(x, emb_weight):
    # The original module chunks tok_embeddings.weight along the embedding
    # (last) dim across num_devices, then performs an embedding gather on
    # each device with the (replicated) token indices.
    chunks = jnp.split(emb_weight, NUM_DEVICES, axis=-1)  # each [VOCAB, D_MODEL//8]
    outs = [jnp.take(w, x, axis=0) for w in chunks]       # each [B, S, D_MODEL//8]
    # Stack per-device outputs (the torch module returns a list of per-device tensors)
    return jnp.stack(outs, axis=0)  # [NUM_DEVICES, B, S, D_MODEL//8]

if __name__ == "__main__":
    import jax
    _d = setup_inputs()
    print(jax.jit(kernel)(*tuple(_d.values())))

</pallas_src>

<mosaic_0001>
#map = affine_map<(d0, d1) -> (0, 0)>
#map1 = affine_map<(d0, d1) -> (0, 0, 0, 0)>
module attributes {stable_mosaic.version = 14 : i64} {
  func.func @_emb_gather(%arg0: i32, %arg1: i32, %arg2: memref<32000x4096xf32, #tpu.memory_space<hbm>>, %arg3: memref<2x8192xi32, #tpu.memory_space<hbm>>, %arg4: memref<8x2x8192x512xf32, #tpu.memory_space<hbm>>, %arg5: memref<4096xi32, #tpu.memory_space<vmem>>, %arg6: memref<64x512xf32, #tpu.memory_space<vmem>>, %arg7: memref<64x512xf32, #tpu.memory_space<vmem>>, %arg8: memref<64x512xf32, #tpu.memory_space<vmem>>, %arg9: memref<!tpu.dma_semaphore, #tpu.memory_space<semaphore_mem>>, %arg10: memref<!tpu.dma_semaphore, #tpu.memory_space<semaphore_mem>>, %arg11: memref<!tpu.dma_semaphore, #tpu.memory_space<semaphore_mem>>, %arg12: memref<!tpu.dma_semaphore, #tpu.memory_space<semaphore_mem>>, %arg13: memref<!tpu.dma_semaphore, #tpu.memory_space<semaphore_mem>>, %arg14: memref<!tpu.dma_semaphore, #tpu.memory_space<semaphore_mem>>) attributes {dimension_semantics = [#tpu.dimension_semantics<core_parallel>, #tpu.dimension_semantics<subcore_parallel>], iteration_bounds = array<i64: 2, 16>, scalar_prefetch = 0 : i64, scratch_operands = 10 : i64, tpu.core_type = #tpu.core_type<sc_vector_subcore>, window_params = [{transform_indices = #map}, {transform_indices = #map}, {transform_indices = #map1}]} {
    %mul3A = arith.constant 2 : i32
    %mul3A_0 = arith.muli %arg1, %mul3A : i32
    %add3A = arith.addi %mul3A_0, %arg0 : i32
    %mul3A_1 = arith.constant 4096 : i32
    %mul3A_2 = arith.muli %add3A, %mul3A_1 : i32
    %jit3A = arith.constant 16384 : i32
    %div3A = arith.divsi %mul3A_2, %jit3A : i32
    %sign3A = arith.constant 0 : i32
    %sign3A_3 = arith.cmpi sgt, %mul3A_2, %sign3A : i32
    %sign3A_4 = arith.extui %sign3A_3 : i1 to i32
    %sign3A_5 = arith.constant 0 : i32
    %sign3A_6 = arith.cmpi slt, %mul3A_2, %sign3A_5 : i32
    %sign3A_7 = arith.extui %sign3A_6 : i1 to i32
    %sign3A_8 = arith.subi %sign3A_4, %sign3A_7 : i32
    %sign3A_9 = arith.constant 0 : i32
    %sign3A_10 = arith.cmpi sgt, %jit3A, %sign3A_9 : i32
    %sign3A_11 = arith.extui %sign3A_10 : i1 to i32
    %sign3A_12 = arith.constant 0 : i32
    %sign3A_13 = arith.cmpi slt, %jit3A, %sign3A_12 : i32
    %sign3A_14 = arith.extui %sign3A_13 : i1 to i32
    %sign3A_15 = arith.subi %sign3A_11, %sign3A_14 : i32
    %ne3A = arith.cmpi ne, %sign3A_8, %sign3A_15 : i32
    %rem3A = arith.remsi %mul3A_2, %jit3A : i32
    %ne3A_16 = arith.constant 0 : i32
    %ne3A_17 = arith.cmpi ne, %rem3A, %ne3A_16 : i32
    %and3A = arith.andi %ne3A, %ne3A_17 : i1
    %sub3A = arith.constant 1 : i32
    %sub3A_18 = arith.subi %div3A, %sub3A : i32
    %select_n3A = arith.select %and3A, %sub3A_18, %div3A : i32
    %mul3A_19 = arith.constant 16384 : i32
    %mul3A_20 = arith.muli %select_n3A, %mul3A_19 : i32
    %sub3A_21 = arith.subi %mul3A_2, %mul3A_20 : i32
    %jit3A_22 = arith.constant 8192 : i32
    %div3A_23 = arith.divsi %sub3A_21, %jit3A_22 : i32
    %sign3A_24 = arith.constant 0 : i32
    %sign3A_25 = arith.cmpi sgt, %sub3A_21, %sign3A_24 : i32
    %sign3A_26 = arith.extui %sign3A_25 : i1 to i32
    %sign3A_27 = arith.constant 0 : i32
    %sign3A_28 = arith.cmpi slt, %sub3A_21, %sign3A_27 : i32
    %sign3A_29 = arith.extui %sign3A_28 : i1 to i32
    %sign3A_30 = arith.subi %sign3A_26, %sign3A_29 : i32
    %sign3A_31 = arith.constant 0 : i32
    %sign3A_32 = arith.cmpi sgt, %jit3A_22, %sign3A_31 : i32
    %sign3A_33 = arith.extui %sign3A_32 : i1 to i32
    %sign3A_34 = arith.constant 0 : i32
    %sign3A_35 = arith.cmpi slt, %jit3A_22, %sign3A_34 : i32
    %sign3A_36 = arith.extui %sign3A_35 : i1 to i32
    %sign3A_37 = arith.subi %sign3A_33, %sign3A_36 : i32
    %ne3A_38 = arith.cmpi ne, %sign3A_30, %sign3A_37 : i32
    %rem3A_39 = arith.remsi %sub3A_21, %jit3A_22 : i32
    %ne3A_40 = arith.constant 0 : i32
    %ne3A_41 = arith.cmpi ne, %rem3A_39, %ne3A_40 : i32
    %and3A_42 = arith.andi %ne3A_38, %ne3A_41 : i1
    %sub3A_43 = arith.constant 1 : i32
    %sub3A_44 = arith.subi %div3A_23, %sub3A_43 : i32
    %select_n3A_45 = arith.select %and3A_42, %sub3A_44, %div3A_23 : i32
    %mul3A_46 = arith.constant 8192 : i32
    %mul3A_47 = arith.muli %select_n3A_45, %mul3A_46 : i32
    %sub3A_48 = arith.subi %sub3A_21, %mul3A_47 : i32
    %mul3A_49 = arith.constant 512 : i32
    %mul3A_50 = arith.muli %select_n3A, %mul3A_49 : i32
    "tpu.region"() ({
      %run_scoped3A = tpu.sem_alloc : memref<!tpu.dma_semaphore, #tpu.memory_space<semaphore_mem>>
      %dma_start3A_98 = tpu.memref_slice %arg3[%select_n3A_45, %sub3A_48] : memref<2x8192xi32, #tpu.memory_space<hbm>> -> memref<1x4096xi32, #tpu.memory_space<hbm>>
      %dma_start3A_99 = tpu.memref_squeeze %dma_start3A_98 : memref<1x4096xi32, #tpu.memory_space<hbm>> -> memref<4096xi32, #tpu.memory_space<hbm>>
      %dma_start3A_100 = tpu.memref_slice %arg3[%select_n3A_45, %sub3A_48] : memref<2x8192xi32, #tpu.memory_space<hbm>> -> memref<1x4096xi32, #tpu.memory_space<hbm>>
      %dma_start3A_101 = tpu.memref_squeeze %dma_start3A_100 : memref<1x4096xi32, #tpu.memory_space<hbm>> -> memref<4096xi32, #tpu.memory_space<hbm>>
      tpu.enqueue_dma source(%dma_start3A_101 : memref<4096xi32, #tpu.memory_space<hbm>>) target(%arg5 : memref<4096xi32, #tpu.memory_space<vmem>>) target_semaphore(%run_scoped3A : memref<!tpu.dma_semaphore, #tpu.memory_space<semaphore_mem>>)
      %dma_wait3A_102 = tpu.memref_slice %arg3[%select_n3A_45, %sub3A_48] : memref<2x8192xi32, #tpu.memory_space<hbm>> -> memref<1x4096xi32, #tpu.memory_space<hbm>>
      %dma_wait3A_103 = tpu.memref_squeeze %dma_wait3A_102 : memref<1x4096xi32, #tpu.memory_space<hbm>> -> memref<4096xi32, #tpu.memory_space<hbm>>
      %dma_wait3A_104 = tpu.memref_slice %arg3[%select_n3A_45, %sub3A_48] : memref<2x8192xi32, #tpu.memory_space<hbm>> -> memref<1x4096xi32, #tpu.memory_space<hbm>>
      %dma_wait3A_105 = tpu.memref_squeeze %dma_wait3A_104 : memref<1x4096xi32, #tpu.memory_space<hbm>> -> memref<4096xi32, #tpu.memory_space<hbm>>
      tpu.wait_dma2 semaphore(%run_scoped3A : memref<!tpu.dma_semaphore, #tpu.memory_space<semaphore_mem>>) src(%dma_wait3A_105 : memref<4096xi32, #tpu.memory_space<hbm>>) dst(%arg5 : memref<4096xi32, #tpu.memory_space<vmem>>)
      tpu.yield
    }) : () -> ()
    %dma_start3A = arith.constant 0 : i32
    %dma_start3A_51 = tpu.memref_slice %arg5[%dma_start3A] : memref<4096xi32, #tpu.memory_space<vmem>> -> memref<64xi32, #tpu.memory_space<vmem>>
    %dma_start3A_52 = arith.constant 0 : i32
    %dma_start3A_53 = tpu.memref_slice %arg2[%dma_start3A_52, %mul3A_50] : memref<32000x4096xf32, #tpu.memory_space<hbm>> -> memref<32000x512xf32, #tpu.memory_space<hbm>>
    tpu.enqueue_indirect_dma source(%dma_start3A_53 : memref<32000x512xf32, #tpu.memory_space<hbm>>) target(%arg6 : memref<64x512xf32, #tpu.memory_space<vmem>>) offsets(%dma_start3A_51 : memref<64xi32, #tpu.memory_space<vmem>>) semaphore(%arg9 : memref<!tpu.dma_semaphore, #tpu.memory_space<semaphore_mem>>)
    %dma_start3A_54 = arith.constant 64 : i32
    %dma_start3A_55 = tpu.memref_slice %arg5[%dma_start3A_54] : memref<4096xi32, #tpu.memory_space<vmem>> -> memref<64xi32, #tpu.memory_space<vmem>>
    %dma_start3A_56 = arith.constant 0 : i32
    %dma_start3A_57 = tpu.memref_slice %arg2[%dma_start3A_56, %mul3A_50] : memref<32000x4096xf32, #tpu.memory_space<hbm>> -> memref<32000x512xf32, #tpu.memory_space<hbm>>
    tpu.enqueue_indirect_dma source(%dma_start3A_57 : memref<32000x512xf32, #tpu.memory_space<hbm>>) target(%arg7 : memref<64x512xf32, #tpu.memory_space<vmem>>) offsets(%dma_start3A_55 : memref<64xi32, #tpu.memory_space<vmem>>) semaphore(%arg10 : memref<!tpu.dma_semaphore, #tpu.memory_space<semaphore_mem>>)
    %scan3A = arith.constant 0 : i32
    %scan3A_58 = arith.constant 0 : i32
    %scan3A_59 = arith.constant 21 : i32
    %scan3A_60 = arith.addi %scan3A_58, %scan3A_59 : i32
    %scan3A_61 = arith.constant 1 : i32
    scf.for %scan3A_98 = %scan3A_58 to %scan3A_60 step %scan3A_61  : i32 {
      %mul3A_99 = arith.constant 3 : i32
      %mul3A_100 = arith.muli %scan3A_98, %mul3A_99 : i32
      %add3A_101 = arith.constant 0 : i32
      %add3A_102 = arith.addi %mul3A_100, %add3A_101 : i32
      %mul3A_103 = arith.constant 64 : i32
      %mul3A_104 = arith.muli %add3A_102, %mul3A_103 : i32
      %dma_wait3A_105 = tpu.memref_slice %arg5[%mul3A_104] : memref<4096xi32, #tpu.memory_space<vmem>> -> memref<64xi32, #tpu.memory_space<vmem>>
      %dma_wait3A_106 = arith.constant 0 : i32
      %dma_wait3A_107 = tpu.memref_slice %arg2[%dma_wait3A_106, %mul3A_50] : memref<32000x4096xf32, #tpu.memory_space<hbm>> -> memref<32000x512xf32, #tpu.memory_space<hbm>>
      tpu.wait_indirect_dma semaphore(%arg9 : memref<!tpu.dma_semaphore, #tpu.memory_space<semaphore_mem>>) src(%dma_wait3A_107 : memref<32000x512xf32, #tpu.memory_space<hbm>>) dst(%arg6 : memref<64x512xf32, #tpu.memory_space<vmem>>)
      %mul3A_108 = arith.constant 64 : i32
      %mul3A_109 = arith.muli %add3A_102, %mul3A_108 : i32
      %add3A_110 = arith.addi %sub3A_48, %mul3A_109 : i32
      %dma_start3A_111 = arith.constant 0 : i32
      %dma_start3A_112 = tpu.memref_slice %arg4[%select_n3A, %select_n3A_45, %add3A_110, %dma_start3A_111] : memref<8x2x8192x512xf32, #tpu.memory_space<hbm>> -> memref<1x1x64x512xf32, #tpu.memory_space<hbm>>
      %dma_start3A_113 = tpu.memref_squeeze %dma_start3A_112 : memref<1x1x64x512xf32, #tpu.memory_space<hbm>> -> memref<64x512xf32, #tpu.memory_space<hbm>>
      %dma_start3A_114 = arith.constant 0 : i32
      %dma_start3A_115 = tpu.memref_slice %arg4[%select_n3A, %select_n3A_45, %add3A_110, %dma_start3A_114] : memref<8x2x8192x512xf32, #tpu.memory_space<hbm>> -> memref<1x1x64x512xf32, #tpu.memory_space<hbm>>
      %dma_start3A_116 = tpu.memref_squeeze %dma_start3A_115 : memref<1x1x64x512xf32, #tpu.memory_space<hbm>> -> memref<64x512xf32, #tpu.memory_space<hbm>>
      tpu.enqueue_dma source(%arg6 : memref<64x512xf32, #tpu.memory_space<vmem>>) target(%dma_start3A_116 : memref<64x512xf32, #tpu.memory_space<hbm>>) target_semaphore(%arg12 : memref<!tpu.dma_semaphore, #tpu.memory_space<semaphore_mem>>)
      %add3A_117 = arith.constant 3 : i32
      %add3A_118 = arith.addi %add3A_102, %add3A_117 : i32
      %sub3A_119 = arith.constant 1 : i32
      %sub3A_120 = arith.subi %add3A_118, %sub3A_119 : i32
      %lt3A = arith.constant 64 : i32
      %lt3A_121 = arith.cmpi slt, %sub3A_120, %lt3A : i32
      %convert_element_type3A = arith.extui %lt3A_121 : i1 to i32
      %cond3A = arith.constant 0 : i32
      %cond3A_122 = arith.cmpi ne, %convert_element_type3A, %cond3A : i32
      scf.if %cond3A_122 {
        %ge3A = arith.constant 1 : i32
        %ge3A_173 = arith.cmpi sge, %add3A_102, %ge3A : i32
        %convert_element_type3A_174 = arith.extui %ge3A_173 : i1 to i32
        %cond3A_175 = arith.constant 0 : i32
        %cond3A_176 = arith.cmpi ne, %convert_element_type3A_174, %cond3A_175 : i32
        scf.if %cond3A_176 {
          %sub3A_186 = arith.constant 1 : i32
          %sub3A_187 = arith.subi %add3A_102, %sub3A_186 : i32
          %mul3A_188 = arith.constant 64 : i32
          %mul3A_189 = arith.muli %sub3A_187, %mul3A_188 : i32
          %add3A_190 = arith.addi %sub3A_48, %mul3A_189 : i32
          %dma_wait3A_191 = arith.constant 0 : i32
          %dma_wait3A_192 = tpu.memref_slice %arg4[%select_n3A, %select_n3A_45, %add3A_190, %dma_wait3A_191] : memref<8x2x8192x512xf32, #tpu.memory_space<hbm>> -> memref<1x1x64x512xf32, #tpu.memory_space<hbm>>
          %dma_wait3A_193 = tpu.memref_squeeze %dma_wait3A_192 : memref<1x1x64x512xf32, #tpu.memory_space<hbm>> -> memref<64x512xf32, #tpu.memory_space<hbm>>
          %dma_wait3A_194 = arith.constant 0 : i32
          %dma_wait3A_195 = tpu.memref_slice %arg4[%select_n3A, %select_n3A_45, %add3A_190, %dma_wait3A_194] : memref<8x2x8192x512xf32, #tpu.memory_space<hbm>> -> memref<1x1x64x512xf32, #tpu.memory_space<hbm>>
          %dma_wait3A_196 = tpu.memref_squeeze %dma_wait3A_195 : memref<1x1x64x512xf32, #tpu.memory_space<hbm>> -> memref<64x512xf32, #tpu.memory_space<hbm>>
          tpu.wait_dma2 semaphore(%arg14 : memref<!tpu.dma_semaphore, #tpu.memory_space<semaphore_mem>>) src(%arg8 : memref<64x512xf32, #tpu.memory_space<vmem>>) dst(%dma_wait3A_196 : memref<64x512xf32, #tpu.memory_space<hbm>>)
        } else {
        }
        %add3A_177 = arith.constant 3 : i32
        %add3A_178 = arith.addi %add3A_102, %add3A_177 : i32
        %sub3A_179 = arith.constant 1 : i32
        %sub3A_180 = arith.subi %add3A_178, %sub3A_179 : i32
        %mul3A_181 = arith.constant 64 : i32
        %mul3A_182 = arith.muli %sub3A_180, %mul3A_181 : i32
        %dma_start3A_183 = tpu.memref_slice %arg5[%mul3A_182] : memref<4096xi32, #tpu.memory_space<vmem>> -> memref<64xi32, #tpu.memory_space<vmem>>
        %dma_start3A_184 = arith.constant 0 : i32
        %dma_start3A_185 = tpu.memref_slice %arg2[%dma_start3A_184, %mul3A_50] : memref<32000x4096xf32, #tpu.memory_space<hbm>> -> memref<32000x512xf32, #tpu.memory_space<hbm>>
        tpu.enqueue_indirect_dma source(%dma_start3A_185 : memref<32000x512xf32, #tpu.memory_space<hbm>>) target(%arg8 : memref<64x512xf32, #tpu.memory_space<vmem>>) offsets(%dma_start3A_183 : memref<64xi32, #tpu.memory_space<vmem>>) semaphore(%arg11 : memref<!tpu.dma_semaphore, #tpu.memory_space<semaphore_mem>>)
      } else {
      }
      %add3A_123 = arith.constant 1 : i32
      %add3A_124 = arith.addi %mul3A_100, %add3A_123 : i32
      %mul3A_125 = arith.constant 64 : i32
      %mul3A_126 = arith.muli %add3A_124, %mul3A_125 : i32
      %dma_wait3A_127 = tpu.memref_slice %arg5[%mul3A_126] : memref<4096xi32, #tpu.memory_space<vmem>> -> memref<64xi32, #tpu.memory_space<vmem>>
      %dma_wait3A_128 = arith.constant 0 : i32
      %dma_wait3A_129 = tpu.memref_slice %arg2[%dma_wait3A_128, %mul3A_50] : memref<32000x4096xf32, #tpu.memory_space<hbm>> -> memref<32000x512xf32, #tpu.memory_space<hbm>>
      tpu.wait_indirect_dma semaphore(%arg10 : memref<!tpu.dma_semaphore, #tpu.memory_space<semaphore_mem>>) src(%dma_wait3A_129 : memref<32000x512xf32, #tpu.memory_space<hbm>>) dst(%arg7 : memref<64x512xf32, #tpu.memory_space<vmem>>)
      %mul3A_130 = arith.constant 64 : i32
      %mul3A_131 = arith.muli %add3A_124, %mul3A_130 : i32
      %add3A_132 = arith.addi %sub3A_48, %mul3A_131 : i32
      %dma_start3A_133 = arith.constant 0 : i32
      %dma_start3A_134 = tpu.memref_slice %arg4[%select_n3A, %select_n3A_45, %add3A_132, %dma_start3A_133] : memref<8x2x8192x512xf32, #tpu.memory_space<hbm>> -> memref<1x1x64x512xf32, #tpu.memory_space<hbm>>
      %dma_start3A_135 = tpu.memref_squeeze %dma_start3A_134 : memref<1x1x64x512xf32, #tpu.memory_space<hbm>> -> memref<64x512xf32, #tpu.memory_space<hbm>>
      %dma_start3A_136 = arith.constant 0 : i32
      %dma_start3A_137 = tpu.memref_slice %arg4[%select_n3A, %select_n3A_45, %add3A_132, %dma_start3A_136] : memref<8x2x8192x512xf32, #tpu.memory_space<hbm>> -> memref<1x1x64x512xf32, #tpu.memory_space<hbm>>
      %dma_start3A_138 = tpu.memref_squeeze %dma_start3A_137 : memref<1x1x64x512xf32, #tpu.memory_space<hbm>> -> memref<64x512xf32, #tpu.memory_space<hbm>>
      tpu.enqueue_dma source(%arg7 : memref<64x512xf32, #tpu.memory_space<vmem>>) target(%dma_start3A_138 : memref<64x512xf32, #tpu.memory_space<hbm>>) target_semaphore(%arg13 : memref<!tpu.dma_semaphore, #tpu.memory_space<semaphore_mem>>)
      %add3A_139 = arith.constant 3 : i32
      %add3A_140 = arith.addi %add3A_124, %add3A_139 : i32
      %sub3A_141 = arith.constant 1 : i32
      %sub3A_142 = arith.subi %add3A_140, %sub3A_141 : i32
      %lt3A_143 = arith.constant 64 : i32
      %lt3A_144 = arith.cmpi slt, %sub3A_142, %lt3A_143 : i32
      %convert_element_type3A_145 = arith.extui %lt3A_144 : i1 to i32
      %cond3A_146 = arith.constant 0 : i32
      %cond3A_147 = arith.cmpi ne, %convert_element_type3A_145, %cond3A_146 : i32
      scf.if %cond3A_147 {
        %ge3A = arith.constant 1 : i32
        %ge3A_173 = arith.cmpi sge, %add3A_124, %ge3A : i32
        %convert_element_type3A_174 = arith.extui %ge3A_173 : i1 to i32
        %cond3A_175 = arith.constant 0 : i32
        %cond3A_176 = arith.cmpi ne, %convert_element_type3A_174, %cond3A_175 : i32
        scf.if %cond3A_176 {
          %sub3A_186 = arith.constant 1 : i32
          %sub3A_187 = arith.subi %add3A_124, %sub3A_186 : i32
          %mul3A_188 = arith.constant 64 : i32
          %mul3A_189 = arith.muli %sub3A_187, %mul3A_188 : i32
          %add3A_190 = arith.addi %sub3A_48, %mul3A_189 : i32
          %dma_wait3A_191 = arith.constant 0 : i32
          %dma_wait3A_192 = tpu.memref_slice %arg4[%select_n3A, %select_n3A_45, %add3A_190, %dma_wait3A_191] : memref<8x2x8192x512xf32, #tpu.memory_space<hbm>> -> memref<1x1x64x512xf32, #tpu.memory_space<hbm>>
          %dma_wait3A_193 = tpu.memref_squeeze %dma_wait3A_192 : memref<1x1x64x512xf32, #tpu.memory_space<hbm>> -> memref<64x512xf32, #tpu.memory_space<hbm>>
          %dma_wait3A_194 = arith.constant 0 : i32
          %dma_wait3A_195 = tpu.memref_slice %arg4[%select_n3A, %select_n3A_45, %add3A_190, %dma_wait3A_194] : memref<8x2x8192x512xf32, #tpu.memory_space<hbm>> -> memref<1x1x64x512xf32, #tpu.memory_space<hbm>>
          %dma_wait3A_196 = tpu.memref_squeeze %dma_wait3A_195 : memref<1x1x64x512xf32, #tpu.memory_space<hbm>> -> memref<64x512xf32, #tpu.memory_space<hbm>>
          tpu.wait_dma2 semaphore(%arg12 : memref<!tpu.dma_semaphore, #tpu.memory_space<semaphore_mem>>) src(%arg6 : memref<64x512xf32, #tpu.memory_space<vmem>>) dst(%dma_wait3A_196 : memref<64x512xf32, #tpu.memory_space<hbm>>)
        } else {
        }
        %add3A_177 = arith.constant 3 : i32
        %add3A_178 = arith.addi %add3A_124, %add3A_177 : i32
        %sub3A_179 = arith.constant 1 : i32
        %sub3A_180 = arith.subi %add3A_178, %sub3A_179 : i32
        %mul3A_181 = arith.constant 64 : i32
        %mul3A_182 = arith.muli %sub3A_180, %mul3A_181 : i32
        %dma_start3A_183 = tpu.memref_slice %arg5[%mul3A_182] : memref<4096xi32, #tpu.memory_space<vmem>> -> memref<64xi32, #tpu.memory_space<vmem>>
        %dma_start3A_184 = arith.constant 0 : i32
        %dma_start3A_185 = tpu.memref_slice %arg2[%dma_start3A_184, %mul3A_50] : memref<32000x4096xf32, #tpu.memory_space<hbm>> -> memref<32000x512xf32, #tpu.memory_space<hbm>>
        tpu.enqueue_indirect_dma source(%dma_start3A_185 : memref<32000x512xf32, #tpu.memory_space<hbm>>) target(%arg6 : memref<64x512xf32, #tpu.memory_space<vmem>>) offsets(%dma_start3A_183 : memref<64xi32, #tpu.memory_space<vmem>>) semaphore(%arg9 : memref<!tpu.dma_semaphore, #tpu.memory_space<semaphore_mem>>)
      } else {
      }
      %add3A_148 = arith.constant 2 : i32
      %add3A_149 = arith.addi %mul3A_100, %add3A_148 : i32
      %mul3A_150 = arith.constant 64 : i32
      %mul3A_151 = arith.muli %add3A_149, %mul3A_150 : i32
      %dma_wait3A_152 = tpu.memref_slice %arg5[%mul3A_151] : memref<4096xi32, #tpu.memory_space<vmem>> -> memref<64xi32, #tpu.memory_space<vmem>>
      %dma_wait3A_153 = arith.constant 0 : i32
      %dma_wait3A_154 = tpu.memref_slice %arg2[%dma_wait3A_153, %mul3A_50] : memref<32000x4096xf32, #tpu.memory_space<hbm>> -> memref<32000x512xf32, #tpu.memory_space<hbm>>
      tpu.wait_indirect_dma semaphore(%arg11 : memref<!tpu.dma_semaphore, #tpu.memory_space<semaphore_mem>>) src(%dma_wait3A_154 : memref<32000x512xf32, #tpu.memory_space<hbm>>) dst(%arg8 : memref<64x512xf32, #tpu.memory_space<vmem>>)
      %mul3A_155 = arith.constant 64 : i32
      %mul3A_156 = arith.muli %add3A_149, %mul3A_155 : i32
      %add3A_157 = arith.addi %sub3A_48, %mul3A_156 : i32
      %dma_start3A_158 = arith.constant 0 : i32
      %dma_start3A_159 = tpu.memref_slice %arg4[%select_n3A, %select_n3A_45, %add3A_157, %dma_start3A_158] : memref<8x2x8192x512xf32, #tpu.memory_space<hbm>> -> memref<1x1x64x512xf32, #tpu.memory_space<hbm>>
      %dma_start3A_160 = tpu.memref_squeeze %dma_start3A_159 : memref<1x1x64x512xf32, #tpu.memory_space<hbm>> -> memref<64x512xf32, #tpu.memory_space<hbm>>
      %dma_start3A_161 = arith.constant 0 : i32
      %dma_start3A_162 = tpu.memref_slice %arg4[%select_n3A, %select_n3A_45, %add3A_157, %dma_start3A_161] : memref<8x2x8192x512xf32, #tpu.memory_space<hbm>> -> memref<1x1x64x512xf32, #tpu.memory_space<hbm>>
      %dma_start3A_163 = tpu.memref_squeeze %dma_start3A_162 : memref<1x1x64x512xf32, #tpu.memory_space<hbm>> -> memref<64x512xf32, #tpu.memory_space<hbm>>
      tpu.enqueue_dma source(%arg8 : memref<64x512xf32, #tpu.memory_space<vmem>>) target(%dma_start3A_163 : memref<64x512xf32, #tpu.memory_space<hbm>>) target_semaphore(%arg14 : memref<!tpu.dma_semaphore, #tpu.memory_space<semaphore_mem>>)
      %add3A_164 = arith.constant 3 : i32
      %add3A_165 = arith.addi %add3A_149, %add3A_164 : i32
      %sub3A_166 = arith.constant 1 : i32
      %sub3A_167 = arith.subi %add3A_165, %sub3A_166 : i32
      %lt3A_168 = arith.constant 64 : i32
      %lt3A_169 = arith.cmpi slt, %sub3A_167, %lt3A_168 : i32
      %convert_element_type3A_170 = arith.extui %lt3A_169 : i1 to i32
      %cond3A_171 = arith.constant 0 : i32
      %cond3A_172 = arith.cmpi ne, %convert_element_type3A_170, %cond3A_171 : i32
      scf.if %cond3A_172 {
        %ge3A = arith.constant 1 : i32
        %ge3A_173 = arith.cmpi sge, %add3A_149, %ge3A : i32
        %convert_element_type3A_174 = arith.extui %ge3A_173 : i1 to i32
        %cond3A_175 = arith.constant 0 : i32
        %cond3A_176 = arith.cmpi ne, %convert_element_type3A_174, %cond3A_175 : i32
        scf.if %cond3A_176 {
          %sub3A_186 = arith.constant 1 : i32
          %sub3A_187 = arith.subi %add3A_149, %sub3A_186 : i32
          %mul3A_188 = arith.constant 64 : i32
          %mul3A_189 = arith.muli %sub3A_187, %mul3A_188 : i32
          %add3A_190 = arith.addi %sub3A_48, %mul3A_189 : i32
          %dma_wait3A_191 = arith.constant 0 : i32
          %dma_wait3A_192 = tpu.memref_slice %arg4[%select_n3A, %select_n3A_45, %add3A_190, %dma_wait3A_191] : memref<8x2x8192x512xf32, #tpu.memory_space<hbm>> -> memref<1x1x64x512xf32, #tpu.memory_space<hbm>>
          %dma_wait3A_193 = tpu.memref_squeeze %dma_wait3A_192 : memref<1x1x64x512xf32, #tpu.memory_space<hbm>> -> memref<64x512xf32, #tpu.memory_space<hbm>>
          %dma_wait3A_194 = arith.constant 0 : i32
          %dma_wait3A_195 = tpu.memref_slice %arg4[%select_n3A, %select_n3A_45, %add3A_190, %dma_wait3A_194] : memref<8x2x8192x512xf32, #tpu.memory_space<hbm>> -> memref<1x1x64x512xf32, #tpu.memory_space<hbm>>
          %dma_wait3A_196 = tpu.memref_squeeze %dma_wait3A_195 : memref<1x1x64x512xf32, #tpu.memory_space<hbm>> -> memref<64x512xf32, #tpu.memory_space<hbm>>
          tpu.wait_dma2 semaphore(%arg13 : memref<!tpu.dma_semaphore, #tpu.memory_space<semaphore_mem>>) src(%arg7 : memref<64x512xf32, #tpu.memory_space<vmem>>) dst(%dma_wait3A_196 : memref<64x512xf32, #tpu.memory_space<hbm>>)
        } else {
        }
        %add3A_177 = arith.constant 3 : i32
        %add3A_178 = arith.addi %add3A_149, %add3A_177 : i32
        %sub3A_179 = arith.constant 1 : i32
        %sub3A_180 = arith.subi %add3A_178, %sub3A_179 : i32
        %mul3A_181 = arith.constant 64 : i32
        %mul3A_182 = arith.muli %sub3A_180, %mul3A_181 : i32
        %dma_start3A_183 = tpu.memref_slice %arg5[%mul3A_182] : memref<4096xi32, #tpu.memory_space<vmem>> -> memref<64xi32, #tpu.memory_space<vmem>>
        %dma_start3A_184 = arith.constant 0 : i32
        %dma_start3A_185 = tpu.memref_slice %arg2[%dma_start3A_184, %mul3A_50] : memref<32000x4096xf32, #tpu.memory_space<hbm>> -> memref<32000x512xf32, #tpu.memory_space<hbm>>
        tpu.enqueue_indirect_dma source(%dma_start3A_185 : memref<32000x512xf32, #tpu.memory_space<hbm>>) target(%arg7 : memref<64x512xf32, #tpu.memory_space<vmem>>) offsets(%dma_start3A_183 : memref<64xi32, #tpu.memory_space<vmem>>) semaphore(%arg10 : memref<!tpu.dma_semaphore, #tpu.memory_space<semaphore_mem>>)
      } else {
      }
    }
    %scan3A_62 = arith.constant 21 : i32
    %dma_wait3A = arith.constant 4032 : i32
    %dma_wait3A_63 = tpu.memref_slice %arg5[%dma_wait3A] : memref<4096xi32, #tpu.memory_space<vmem>> -> memref<64xi32, #tpu.memory_space<vmem>>
    %dma_wait3A_64 = arith.constant 0 : i32
    %dma_wait3A_65 = tpu.memref_slice %arg2[%dma_wait3A_64, %mul3A_50] : memref<32000x4096xf32, #tpu.memory_space<hbm>> -> memref<32000x512xf32, #tpu.memory_space<hbm>>
    tpu.wait_indirect_dma semaphore(%arg9 : memref<!tpu.dma_semaphore, #tpu.memory_space<semaphore_mem>>) src(%dma_wait3A_65 : memref<32000x512xf32, #tpu.memory_space<hbm>>) dst(%arg6 : memref<64x512xf32, #tpu.memory_space<vmem>>)
    %add3A_66 = arith.constant 4032 : i32
    %add3A_67 = arith.addi %sub3A_48, %add3A_66 : i32
    %dma_start3A_68 = arith.constant 0 : i32
    %dma_start3A_69 = tpu.memref_slice %arg4[%select_n3A, %select_n3A_45, %add3A_67, %dma_start3A_68] : memref<8x2x8192x512xf32, #tpu.memory_space<hbm>> -> memref<1x1x64x512xf32, #tpu.memory_space<hbm>>
    %dma_start3A_70 = tpu.memref_squeeze %dma_start3A_69 : memref<1x1x64x512xf32, #tpu.memory_space<hbm>> -> memref<64x512xf32, #tpu.memory_space<hbm>>
    %dma_start3A_71 = arith.constant 0 : i32
    %dma_start3A_72 = tpu.memref_slice %arg4[%select_n3A, %select_n3A_45, %add3A_67, %dma_start3A_71] : memref<8x2x8192x512xf32, #tpu.memory_space<hbm>> -> memref<1x1x64x512xf32, #tpu.memory_space<hbm>>
    %dma_start3A_73 = tpu.memref_squeeze %dma_start3A_72 : memref<1x1x64x512xf32, #tpu.memory_space<hbm>> -> memref<64x512xf32, #tpu.memory_space<hbm>>
    tpu.enqueue_dma source(%arg6 : memref<64x512xf32, #tpu.memory_space<vmem>>) target(%dma_start3A_73 : memref<64x512xf32, #tpu.memory_space<hbm>>) target_semaphore(%arg12 : memref<!tpu.dma_semaphore, #tpu.memory_space<semaphore_mem>>)
    %add3A_74 = arith.constant 3904 : i32
    %add3A_75 = arith.addi %sub3A_48, %add3A_74 : i32
    %dma_wait3A_76 = arith.constant 0 : i32
    %dma_wait3A_77 = tpu.memref_slice %arg4[%select_n3A, %select_n3A_45, %add3A_75, %dma_wait3A_76] : memref<8x2x8192x512xf32, #tpu.memory_space<hbm>> -> memref<1x1x64x512xf32, #tpu.memory_space<hbm>>
    %dma_wait3A_78 = tpu.memref_squeeze %dma_wait3A_77 : memref<1x1x64x512xf32, #tpu.memory_space<hbm>> -> memref<64x512xf32, #tpu.memory_space<hbm>>
    %dma_wait3A_79 = arith.constant 0 : i32
    %dma_wait3A_80 = tpu.memref_slice %arg4[%select_n3A, %select_n3A_45, %add3A_75, %dma_wait3A_79] : memref<8x2x8192x512xf32, #tpu.memory_space<hbm>> -> memref<1x1x64x512xf32, #tpu.memory_space<hbm>>
    %dma_wait3A_81 = tpu.memref_squeeze %dma_wait3A_80 : memref<1x1x64x512xf32, #tpu.memory_space<hbm>> -> memref<64x512xf32, #tpu.memory_space<hbm>>
    tpu.wait_dma2 semaphore(%arg13 : memref<!tpu.dma_semaphore, #tpu.memory_space<semaphore_mem>>) src(%arg7 : memref<64x512xf32, #tpu.memory_space<vmem>>) dst(%dma_wait3A_81 : memref<64x512xf32, #tpu.memory_space<hbm>>)
    %add3A_82 = arith.constant 3968 : i32
    %add3A_83 = arith.addi %sub3A_48, %add3A_82 : i32
    %dma_wait3A_84 = arith.constant 0 : i32
    %dma_wait3A_85 = tpu.memref_slice %arg4[%select_n3A, %select_n3A_45, %add3A_83, %dma_wait3A_84] : memref<8x2x8192x512xf32, #tpu.memory_space<hbm>> -> memref<1x1x64x512xf32, #tpu.memory_space<hbm>>
    %dma_wait3A_86 = tpu.memref_squeeze %dma_wait3A_85 : memref<1x1x64x512xf32, #tpu.memory_space<hbm>> -> memref<64x512xf32, #tpu.memory_space<hbm>>
    %dma_wait3A_87 = arith.constant 0 : i32
    %dma_wait3A_88 = tpu.memref_slice %arg4[%select_n3A, %select_n3A_45, %add3A_83, %dma_wait3A_87] : memref<8x2x8192x512xf32, #tpu.memory_space<hbm>> -> memref<1x1x64x512xf32, #tpu.memory_space<hbm>>
    %dma_wait3A_89 = tpu.memref_squeeze %dma_wait3A_88 : memref<1x1x64x512xf32, #tpu.memory_space<hbm>> -> memref<64x512xf32, #tpu.memory_space<hbm>>
    tpu.wait_dma2 semaphore(%arg14 : memref<!tpu.dma_semaphore, #tpu.memory_space<semaphore_mem>>) src(%arg8 : memref<64x512xf32, #tpu.memory_space<vmem>>) dst(%dma_wait3A_89 : memref<64x512xf32, #tpu.memory_space<hbm>>)
    %add3A_90 = arith.constant 4032 : i32
    %add3A_91 = arith.addi %sub3A_48, %add3A_90 : i32
    %dma_wait3A_92 = arith.constant 0 : i32
    %dma_wait3A_93 = tpu.memref_slice %arg4[%select_n3A, %select_n3A_45, %add3A_91, %dma_wait3A_92] : memref<8x2x8192x512xf32, #tpu.memory_space<hbm>> -> memref<1x1x64x512xf32, #tpu.memory_space<hbm>>
    %dma_wait3A_94 = tpu.memref_squeeze %dma_wait3A_93 : memref<1x1x64x512xf32, #tpu.memory_space<hbm>> -> memref<64x512xf32, #tpu.memory_space<hbm>>
    %dma_wait3A_95 = arith.constant 0 : i32
    %dma_wait3A_96 = tpu.memref_slice %arg4[%select_n3A, %select_n3A_45, %add3A_91, %dma_wait3A_95] : memref<8x2x8192x512xf32, #tpu.memory_space<hbm>> -> memref<1x1x64x512xf32, #tpu.memory_space<hbm>>
    %dma_wait3A_97 = tpu.memref_squeeze %dma_wait3A_96 : memref<1x1x64x512xf32, #tpu.memory_space<hbm>> -> memref<64x512xf32, #tpu.memory_space<hbm>>
    tpu.wait_dma2 semaphore(%arg12 : memref<!tpu.dma_semaphore, #tpu.memory_space<semaphore_mem>>) src(%arg6 : memref<64x512xf32, #tpu.memory_space<vmem>>) dst(%dma_wait3A_97 : memref<64x512xf32, #tpu.memory_space<hbm>>)
    return
  }
}

</mosaic_0001>

<sc_bundles>
// kernel: kernel.3.cloned.1.call-start
scs
__scs_entry_jumppad:
0x0: {  	(pc) =	sbr.rel $0x88, $3  }
0x1: {  	(tag) =	ssettag $0x0;
	lr =	simm.s32 $0x1  }
0x2: {  	[smem:$0x3F9F] =	sst lr;
	_ =	strace $0xD0000000  }
0x3: {  	_ = 	snop  }
0x4: {  	_ = 	snop  }
0x5: {  	_ = 	snop  }
0x6: {  	_ = 	snop  }
0x7: {  	_ = 	snop  }
__scs_overlays_trampoline_lowered:
0x8: {  	[smem:$0x3FAE] =	sst s0  }
0x9: {  	[smem:$0x3FAF] =	sst s1  }
0xa: {  	[smem:$0x3FB0] =	sst s2  }
0xb: {  	[smem:$0x3FB1] =	sst s3  }
0xc: {  	[smem:$0x3FB2] =	sst s4  }
0xd: {  	[smem:$0x3FB3] =	sst s5  }
0xe: {  	[smem:$0x3FB4] =	sst s6  }
0xf: {  	[smem:$0x3FB5] =	sst s7  }
0x10: {  	[smem:$0x3FB6] =	sst s8  }
0x11: {  	[smem:$0x3FB7] =	sst s9;
	s0 =	simm.s32 @!p0 $0x0  }
0x12: {  	s1 =	sld [smem:$0x3F9D];
	s0 =	simm.s32 @p0 $0x1  }
0x13: {  	[smem:$0x3FB8] =	sst s0;
	s0 =	simm.s32 @!p1 $0x0  }
0x14: {  	s2 =	sld [smem:$0x3F9C];
	s0 =	simm.s32 @p1 $0x1  }
0x15: {  	[smem:$0x3FB9] =	sst s0;
	s0 =	simm.s32 @!p2 $0x0  }
0x16: {  	s3 =	sld [smem:$0x3FDB];
	s0 =	simm.s32 @p2 $0x1  }
0x17: {  	s4 =	simm.s32 $0x1BF5;
	[smem:$0x3FBB] =	sst s0  }
0x18: {  	s0 =	sld [smem:$0x3F9E];
	_ =	swait.ge [sflag:s4], $0x0  }
0x19: {  	s7 =	sld [smem:$0x3F9F]  }
0x1a: {  	s8 =	sadd.s32 $0xFFFFE003, lr  }
0x1b: {  	s9 =	sadd.s32 $0xFFFFFEF7, lr;
	s5 =	simm.s32 $0xFFFFFFFF;
	p2 =	slt.u32 s8, $0xFFFFF086  }
0x1c: {  	p1 =	slt.u32 s9, $0xF7A;
	s5 =	simm.s32 @!p2 $0x0  }
0x1d: {  	s5 =	simm.s32 @p1 $0x1;
	p0 =	seq.s32 s7, s2  }
0x1e: {  	s7 =	smul.u32 @!p0 $0xF7A, s2;
	p2 =	seq.s32 @!p0 s5, $0x0  }
0x1f: {  	s9 =	smul.u32 $0xF7A, s1;
	s8 =	simm.s32 @!p0 $0x1BF5;
	p2 =	por !p2, p0  }
0x20: {  	[sflag:s8] =	ssyncset.s32 @!p0 $0xFFFFF086;
	s6 =	sadd.s32 @!p0 s3, s7;
	s7 =	simm.s32 @!p0 $0x108  }
0x21: {  	s3 =	sadd.s32 s3, s9;
	s6 =	sadd.s32 @!p0 $0x88, s6;
	s7 =	simm.s32 @p2 $0x1082  }
0x22: {  	[simem:s7], [sflag:s8] =	dma.local @!p0 [hbm:s6], $0xF7A  }
0x23: {  	s9 =	sor.u32 $0xD0000000, s2;
	s6 =	simm.s32 $0x108;
	_ =	swait.ge @!p0 [sflag:s8], $0x0  }
0x24: {  	s3 =	sadd.s32 $0x88, s3;
	s6 =	simm.s32 @!p1 $0x1082;
	[sflag:s4] =	ssyncset.s32 $0xFFFFF086  }
0x25: {  	[simem:s6], [sflag:s4] =	dma.local [hbm:s3], $0xF7A  }
0x26: {  	[smem:$0x3F9F] =	sst s1;
	(tag) =	ssettag s2;
	_ =	strace s9  }
0x27: {  	s1 =	sld [smem:$0x3FAF]  }
0x28: {  	s2 =	sld [smem:$0x3FB0]  }
0x29: {  	s4 =	sld [smem:$0x3FB2]  }
0x2a: {  	p0 =	seq.s32 s5, $0x0;
	s5 =	sld [smem:$0x3FB3]  }
0x2b: {  	s6 =	sld [smem:$0x3FB4]  }
0x2c: {  	s7 =	sld [smem:$0x3FB5]  }
0x2d: {  	s3 =	simm.s32 $0x108;
	s8 =	sld [smem:$0x3FB6]  }
0x2e: {  	s3 =	simm.s32 @!p0 $0x1082;
	s9 =	sld [smem:$0x3FB7]  }
0x2f: {  	lr =	sadd.s32 s0, s3;
	s0 =	sld [smem:$0x3FAE]  }
0x30: {  	s3 =	sld [smem:$0x3FB1]  }
0x31: {  	[smem:$0x3FBA] =	sst s10  }
0x32: {  	s10 =	sld [smem:$0x3FB8];
	_ =	sdelay $0x3  }
0x33: {  	p0 =	seq.s32 s10, $0x1;
	s10 =	sld [smem:$0x3FBA];
	_ =	sdelay $0x3  }
0x34: {  	[smem:$0x3FBA] =	sst s10  }
0x35: {  	s10 =	sld [smem:$0x3FB9];
	_ =	sdelay $0x3  }
0x36: {  	p1 =	seq.s32 s10, $0x1;
	s10 =	sld [smem:$0x3FBA];
	_ =	sdelay $0x3  }
0x37: {  	[smem:$0x3FBA] =	sst s10  }
0x38: {  	s10 =	sld [smem:$0x3FBB]  }
0x39: {  	_ = 	snop;
	(pc) =	sbr.ind lr, $3  }
0x3a: {  	_ = 	snop  }
0x3b: {  	_ = 	snop  }
0x3c: {  	p2 =	seq.s32 s10, $0x1;
	s10 =	sld [smem:$0x3FBA]  }
0x3d: {  	_ =	shalt  }
0x3e: {  	_ =	shalt  }
0x3f: {  	_ =	shalt  }
0x40: {  	_ =	shalt  }
0x41: {  	_ =	shalt  }
0x42: {  	_ =	shalt  }
0x43: {  	_ =	shalt  }
0x44: {  	_ =	shalt  }
0x45: {  	_ =	shalt  }
0x46: {  	_ =	shalt  }
0x47: {  	_ =	shalt  }
0x48: {  	_ =	shalt  }
0x49: {  	_ =	shalt  }
0x4a: {  	_ =	shalt  }
0x4b: {  	_ =	shalt  }
0x4c: {  	_ =	shalt  }
0x4d: {  	_ =	shalt  }
0x4e: {  	_ =	shalt  }
0x4f: {  	_ =	shalt  }
0x50: {  	_ =	shalt  }
0x51: {  	_ =	shalt  }
0x52: {  	_ =	shalt  }
0x53: {  	_ =	shalt  }
0x54: {  	_ =	shalt  }
0x55: {  	_ =	shalt  }
0x56: {  	_ =	shalt  }
0x57: {  	_ =	shalt  }
0x58: {  	_ =	shalt  }
0x59: {  	_ =	shalt  }
0x5a: {  	_ =	shalt  }
0x5b: {  	_ =	shalt  }
0x5c: {  	_ =	shalt  }
0x5d: {  	_ =	shalt  }
0x5e: {  	_ =	shalt  }
0x5f: {  	_ =	shalt  }
0x60: {  	_ =	shalt  }
0x61: {  	_ =	shalt  }
0x62: {  	_ =	shalt  }
0x63: {  	_ =	shalt  }
0x64: {  	_ =	shalt  }
0x65: {  	_ =	shalt  }
0x66: {  	_ =	shalt  }
0x67: {  	_ =	shalt  }
0x68: {  	_ =	shalt  }
0x69: {  	_ =	shalt  }
0x6a: {  	_ =	shalt  }
0x6b: {  	_ =	shalt  }
0x6c: {  	_ =	shalt  }
0x6d: {  	_ =	shalt  }
0x6e: {  	_ =	shalt  }
0x6f: {  	_ =	shalt  }
0x70: {  	_ =	shalt  }
0x71: {  	_ =	shalt  }
0x72: {  	_ =	shalt  }
0x73: {  	_ =	shalt  }
0x74: {  	_ =	shalt  }
0x75: {  	_ =	shalt  }
0x76: {  	_ =	shalt  }
0x77: {  	_ =	shalt  }
0x78: {  	_ =	shalt  }
0x79: {  	_ =	shalt  }
0x7a: {  	_ =	shalt  }
0x7b: {  	_ =	shalt  }
0x7c: {  	_ =	shalt  }
0x7d: {  	_ =	shalt  }
0x7e: {  	_ =	shalt  }
0x7f: {  	_ =	shalt  }
0x80: {  	_ =	shalt  }
0x81: {  	_ =	shalt  }
0x82: {  	_ =	shalt  }
0x83: {  	_ =	shalt  }
0x84: {  	_ =	shalt  }
0x85: {  	_ =	shalt  }
0x86: {  	_ =	shalt  }
0x87: {  	_ =	shalt  }
.Lfunc_end0:
.L_simem_size_0:
called_computation_lowered:
.L_overlay_start_0:
0x88: {  	s2 =	sld [smem:$0x3FD9]  }
0x89: {  	s3 =	sld [smem:$0x3FFE];
	_ =	sdelay $0x1  }
0x8a: {  	s1 =	srdreg.scid  }
0x8b: {  	s0 =	sand.u32 $0x1, s1  }
0x8c: {  	s18 =	sshll.u32 s0, $0xA;
	s2 =	sadd.s32 s3, s2  }
0x8d: {  	s2 =	sadd.s32 s2, s18  }
0x8e: {  	[smem:$0x3FC6] =	sst s2  }
0x8f: {  	_ = 	snop  }
0x90: {  	s2 =	sld [smem:$0x3FC9]  }
0x91: {  	s19 =	sld [smem:$0x3FC8]  }
0x92: {  	s4 =	sld [smem:$0x3FD0];
	(tm) =	ssettm $0x1  }
0x93: {  	s5 =	sld [smem:$0x3FFB];
	_ =	sdelay $0x3  }
0x94: {  	_ =	strace s5  }
0x95: {  	s5 =	sld [smem:$0x3FFC];
	_ =	sdelay $0x3  }
0x96: {  	_ =	strace s5  }
0x97: {  	s5 =	sld [smem:$0x3FFD];
	_ =	sdelay $0x3  }
0x98: {  	_ =	strace s5  }
0x99: {  	_ =	strace $0x8FFFFFFF  }
0x9a: {  	s20 =	sld [smem:$0x3FDB];
	_ =	sdelay $0x1  }
0x9b: {  	s6 =	simm.s32 $_scs_section_size  }
0x9c: {  	s7 =	simm.s32 $_size__tile_overlayer_lowered;
	s8 =	simm.s32 $_tile_overlayer_lowered  }
0x9d: {  	s23 =	simm.s32 $0x1BFF;
	s22 =	sshll.u32 s8, $0x1;
	s5 =	sadd.s32 s6, s20  }
0x9e: {  	s9 =	simm.s32 $0x0;
	s21 =	sshll.u32 s7, $0x1;
	s7 =	sadd.s32 s22, s5  }
0x9f: {  	[timem:s9], [sflag:s23] =	dma.local [hbm:s7], s21  }
0xa0: {  	_ =	swait.ge [sflag:s23], s21  }
0xa1: {  	s6 =	ssub.s32 $0x0, s21;
	[sflag:s23] =	ssyncset.done $0x0  }
0xa2: {  	[sflag:s23] =	ssyncadd.s32 s6;
	_ =	sdelay $0x1  }
0xa3: {  	s24 =	simm.s32 $0x1B8B  }
0xa4: {  	_ =	swait.ge [sflag:s24], $0x1  }
0xa5: {  	[sflag:s24] =	ssyncset.done $0x0  }
0xa6: {  	s25 =	simm.s32 $0x1B8E;
	[sflag:s24] =	ssyncadd.s32 $0xFFFFFFFF  }
0xa7: {  	s26 =	simm.s32 $execute0_lowered;
	[smem:$0x3FD2] =	sst s25  }
0xa8: {  	s6 =	sshll.u32 s26, $0x1;
	_ =	strace $0x80000046;
	[dreg:$0x1] =	wrdreg $0xFFFFFFFF  }
0xa9: {  	s28 =	simm.s32 $_size_execute0_lowered;
	s5 =	sadd.s32 s5, s6;
	[dreg:$0x0] =	wrdreg $0x0  }
0xaa: {  	s6 =	sshll.u32 s28, $0x1;
	[dreg:$0x2] =	wrdreg s5  }
0xab: {  	[dreg:$0x3] =	wrdreg s6  }
0xac: {  	[dreg:$0x4] =	wrdreg $0xC0  }
0xad: {  	_ =	task [dreg:s9], $0x5FFFF  }
0xae: {  	[dreg:$0x1] =	wrdreg $0xFFFFFFFF  }
0xaf: {  	[dreg:$0x0] =	wrdreg $0x60  }
0xb0: {  	[dreg:$0x2] =	wrdreg s19  }
0xb1: {  	[dreg:$0x3] =	wrdreg s2  }
0xb2: {  	[dreg:$0x4] =	wrdreg s4  }
0xb3: {  	[dreg:$0x5] =	wrdreg $0x9  }
0xb4: {  	_ =	task.clear_ibuf [dreg:s9], $0x6FFFF;
	_ =	strace $0x90000046  }
0xb5: {  	s29 =	simm.s32 $0x9;
	_ =	strace $0x80000048  }
0xb6: {  	_ =	swait.ge [sflag:s29], $0x1  }
0xb7: {  	[sflag:s29] =	ssyncadd.s32 $0xFFFFFFFF  }
0xb8: {  	_ =	strace $0x90000048  }
0xb9: {  	_ =	sfence  }
0xba: {  	s30 =	sld [smem:$0x0];
	_ =	sdelay $0x2  }
0xbb: {  	s31 =	sshll.u32 s1, $0xD;
	s1 =	sshrl.u32 s1, $0x2  }
0xbc: {  	s3 =	sand.u32 $0x4000, s31;
	s1 =	sadd.s32 s1, s30  }
0xbd: {  	s0 =	sor.u32 s3, s0;
	s1 =	sshll.u32 s1, $0x11  }
0xbe: {  	s0 =	sor.u32 s1, s0  }
0xbf: {  	s0 =	sadd.s32 $0x8F2B, s0  }
0xc0: {  	[sflag:s0] =	ssyncadd.remote.s32 $0x1  }
0xc1: {  	_ =	sfence.sel $0xFFFF  }
0xc2: {  	[dreg:$0x0] =	wrdreg $0xFFFFFFFF;
	(pc) =	sbr.abs _section_cstart, $3  }
0xc3: {  	[dreg:$0x1] =	wrdreg $0xFFFFFFFF  }
0xc4: {  	_ =	task.clear_ibuf [dreg:s9], $0x2FFFF;
	_ =	strace $0x9FFFFFFF  }
0xc5: {  	(tm) =	ssettm $0x7FFFFFFF  }
tec
execute0_lowered:
.L_overlay_start_1:
0x0: {  	(tag) =	ssettag $0x1  }
0x1: {  	s4 =	rddreg [dreg:$0x0]  }
0x2: {  	s0 =	srdreg.scid;
	s5 =	rddreg [dreg:$0x1]  }
0x3: {  	s11 =	stileid.u32;
	s6 =	rddreg [dreg:$0x2]  }
0x4: {  	s7 =	simm.s32 $0x1;
	s14 =	simm.s32 $0x1000;
	s28 =	simm.s32 $0x16000  }
0x5: {  	s29 =	simm.s32 $0x17000;
	s30 =	simm.s32 $0x18000;
	s31 =	simm.s32 $0x2  }
0x6: {  	s0 =	sand.u32 $0x1, s0;
	s1 =	sshll.u32 s11, $0xD;
	s15 =	sshrl.u32 s11, $0x1  }
0x7: {  	s2 =	sshll.u32 s0, $0xC;
	s1 =	sand.u32 $0x2000, s1;
	p1 =	seq.s32 s0, $0x1  }
0x8: {  	s8 =	ssub.s32 $0x2, s0;
	s18 =	sshll.u32 s15, $0x17;
	s3 =	sor.u32 s2, s1  }
0x9: {  	s0 =	sshll.u32 s0, $0x15;
	s20 =	sshll.u32 s15, $0x9;
	p0 =	seq.s32 s3, $0x0  }
0xa: {  	s2 =	simm.s32 $0x0;
	s9 =	sshrl.u32 s8, $0x1;
	p0 =	por !p0, !p1  }
0xb: {  	s1 =	sshrl.u32 s1, $0xD;
	s8 =	ssub.s32 s8, s9;
	p0 =	por !p0, !p0  }
0xc: {  	[smem:$0x7FF] =	sst s2;
	s24 =	smax.u32 s8, $0x1;
	s7 =	simm.s32 @!p0 $0x0  }
0xd: {  	_ =	strace $0x80000047;
	[dreg:$0x6] =	wrdreg s24;
	s7 =	ssub.s32 s1, s7  }
0xe: {  	s24 =	simm.s32 $0x13000;
	s1 =	sshll.u32 s1, $0x16;
	s10 =	sshll.u32 s7, $0xD  }
0xf: {  	s13 =	sshll.u32 s7, $0x7;
	s7 =	sshll.u32 s7, $0x16;
	s1 =	sor.u32 s1, s18  }
0x10: {  	s16 =	ssub.s32 s3, s10;
	s10 =	sand.u32 $0xFFFFC000, s10;
	s3 =	simm.s32 $0x1  }
0x11: {  	s17 =	sand.u32 $0x80, s13;
	s7 =	sadd.s32 s18, s7;
	s0 =	sor.u32 s0, s1  }
0x12: {  	s13 =	simm.s32 $0x15800;
	s18 =	simm.s32 $0x18800;
	s12 =	sshll.u32 s16, $0x1  }
0x13: {  	s11 =	sshll.u32 s16, $0x9;
	s23 =	sor.u32 $0x8000, s0;
	s25 =	sor.u32 $0x10000, s0  }
0x14: {  	s0 =	sshrl.u32 s0, $0x3;
	s16 =	simm.s32 $0x16800;
	s10 =	sadd.s32 s10, s12  }
0x15: {  	s19 =	sadd.s32 s7, s11;
	s1 =	sshrl.u32 s23, $0x3;
	s26 =	sshrl.u32 s25, $0x3  }
0x16: {  	s9 =	sadd.s32 s0, s6;
	s12 =	simm.s32 $0x11000;
	s23 =	simm.s32 $0x12000  }
0x17: {  	s25 =	simm.s32 $0x14000;
	s7 =	simm.s32 $0x14800;
	s10 =	sor.u32 s17, s10  }
0x18: {  	s0 =	simm.s32 $0x3;
	s8 =	sadd.s32 s1, s6;
	s10 =	sshrl.u32 s10, $0x3  }
0x19: {  	s1 =	simm.s32 $0x9000;
	s17 =	simm.s32 $0x17800;
	s5 =	sadd.s32 s5, s10  }
.Ltmp0:
0x1a: {  	s10 =	sadd.s32 s26, s6;
	s26 =	simm.s32 $0x15000;
	(pc) =	sbr.rel .LBB2_1-.Ltmp0, $4  }
0x1b: {  	[dreg:$0x4] =	wrdreg s5;
	s5 =	sor.u32 $0x1F8000, s19;
	s19 =	simm.s32 $0x4  }
0x1c: {  	v2 =	vlaneseq.u32;
	s21 =	sshrl.u32 s5, $0x3;
	s5 =	sadd.s32 s4, s20;
	s4 =	simm.s32 $0x12800  }
0x1d: {  	vm0 =	vmmov $0xffff;
	v1 =	vshrl.u32 v2, $0x3;
	s20 =	simm.s32 $0x5;
	s22 =	sadd.s32 s6, s21;
	s15 =	sadd.s32 $0x100, s5  }
0x1e: {  	v0 =	vand.u32 $0x7, v2;
	v2 =	vor.u32 $0x8, v2;
	v1 =	vmul.u32 $0x8, v1;
	s6 =	simm.s32 $0x13800;
	s21 =	simm.s32 $0x0;
	[dreg:$0x5] =	wrdreg s22  }
.LBB2_4:
0x1f: {  	_ =	swait.ge [sflag:s3], $0x8000  }
0x20: {  	[sflag:s3] =	ssyncset.done $0x0  }
0x21: {  	s11 =	rddreg [dreg:$0x5];
	[sflag:s3] =	ssyncadd.s32 $0xFFFF8000  }
0x22: {  	[hbm4b:s11+s2] =	stream.linear.scatter [tilespmem:s14], [sflag:$0x4], $0x8000, $0x38;
	[tilespmem:$0x19000] =	vst v63  }
0x23: {  	_ =	swait.ge [sflag:s20], $0x8000  }
0x24: {  	[sflag:s20] =	ssyncset.done $0x0  }
0x25: {  	s21 =	simm.s32 $0x6;
	[sflag:s20] =	ssyncadd.s32 $0xFFFF8000  }
0x26: {  	_ =	swait.ge [sflag:s21], $0x8000  }
0x27: {  	[sflag:s21] =	ssyncset.done $0x0  }
0x28: {  	[sflag:s21] =	ssyncadd.s32 $0xFFFF8000  }
0x29: {  	_ =	swait.ge [sflag:s19], $0x8000  }
0x2a: {  	s21 =	rddreg [dreg:$0x7]  }
0x2b: {  	s22 =	rddreg [dreg:$0x6];
	s21 =	sadd.s32 $0x1, s21  }
0x2c: {  	p0 =	sne.s32 s21, s22  }
.Ltmp1:
0x2d: {  	_ = 	snop;
	(pc) =	sbr.rel @!p0 .LBB2_5-.Ltmp1, $3  }
0x2e: {  	_ =	sdelay $0x1  }
0x2f: {  	[sflag:s19] =	ssyncset.done $0x0  }
0x30: {  	[sflag:s19] =	ssyncadd.s32 $0xFFFF8000  }
.LBB2_1:
0x31: {  	[dreg:$0x7] =	wrdreg s21  }
0x32: {  	s11 =	rddreg [dreg:$0x4];
	s21 =	simm.s32 $0x80;
	s22 =	simm.s32 $0x100  }
0x33: {  	[tilespmem:s2], [sflag:$0x7] =	stream.strided.gather [hbm4b:s11+s21], $0x1000, s22, s21, $0x38;
	[tilespmem:$0x19000] =	vst v63  }
0x34: {  	s22 =	simm.s32 $0x7  }
0x35: {  	_ =	swait.ge [sflag:s22], $0x1000  }
0x36: {  	[sflag:s22] =	ssyncset.done $0x0  }
0x37: {  	[sflag:s22] =	ssyncadd.s32 $0xFFFFF000  }
0x38: {  	v3 =	vld [tilespmem:$0x0];
	_ =	sdelay $0x4  }
0x39: {  	v4 =	vshll.u32 v3, $0x5  }
0x3a: {  	v3 =	vand.u32 $0x7, v3;
	v4 =	vand.u32 $0xFFFFFF00, v4  }
0x3b: {  	v3 =	vor.u32 v3, v4  }
0x3c: {  	v4 =	vperm.xlane v3, v0;
	_ =	sdelay $0x1  }
0x3d: {  	v4 =	vadd.s32 v1, v4;
	_ =	sdelay $0x1  }
0x3e: {  	v3 =	vperm.xlane v3, v2;
	_ =	sdelay $0x1  }
0x3f: {  	v3 =	vadd.s32 v1, v3  }
0x40: {  	[tilespmem:s14], [sflag:$0x1] =	stream.indirect_vreg.gather [hbm4b:s5+s2], $0x80, v4, vm0, $0xb8;
	[tilespmem:$0x19000] =	vst v63  }
0x41: {  	s21 =	simm.s32 $0x1800  }
0x42: {  	[tilespmem:s21], [sflag:$0x1] =	stream.indirect_vreg.gather [hbm4b:s15+s2], $0x80, v4, vm0, $0xb8;
	[tilespmem:$0x19000] =	vst v63  }
0x43: {  	s22 =	simm.s32 $0x2000  }
0x44: {  	[tilespmem:s22], [sflag:$0x1] =	stream.indirect_vreg.gather [hbm4b:s5+s2], $0x80, v3, vm0, $0xb8;
	[tilespmem:$0x19000] =	vst v63  }
0x45: {  	s21 =	simm.s32 $0x2800  }
0x46: {  	[tilespmem:s21], [sflag:$0x1] =	stream.indirect_vreg.gather [hbm4b:s15+s2], $0x80, v3, vm0, $0xb8;
	[tilespmem:$0x19000] =	vst v63  }
0x47: {  	v3 =	vld [tilespmem:$0x10];
	_ =	sdelay $0x4  }
0x48: {  	v57 =	vshll.u32 v3, $0x5  }
0x49: {  	v3 =	vand.u32 $0x7, v3;
	v4 =	vand.u32 $0xFFFFFF00, v57  }
0x4a: {  	v3 =	vor.u32 v3, v4  }
0x4b: {  	v4 =	vperm.xlane v3, v0;
	_ =	sdelay $0x1  }
0x4c: {  	v4 =	vadd.s32 v1, v4;
	_ =	sdelay $0x1  }
0x4d: {  	v3 =	vperm.xlane v3, v2;
	_ =	sdelay $0x1  }
0x4e: {  	s22 =	simm.s32 $0x3000;
	v3 =	vadd.s32 v1, v3  }
0x4f: {  	[tilespmem:s22], [sflag:$0x1] =	stream.indirect_vreg.gather [hbm4b:s5+s2], $0x80, v4, vm0, $0xb8;
	[tilespmem:$0x19000] =	vst v63  }
0x50: {  	s21 =	simm.s32 $0x3800  }
0x51: {  	[tilespmem:s21], [sflag:$0x1] =	stream.indirect_vreg.gather [hbm4b:s15+s2], $0x80, v4, vm0, $0xb8;
	[tilespmem:$0x19000] =	vst v63  }
0x52: {  	s22 =	simm.s32 $0x4000  }
0x53: {  	[tilespmem:s22], [sflag:$0x1] =	stream.indirect_vreg.gather [hbm4b:s5+s2], $0x80, v3, vm0, $0xb8;
	[tilespmem:$0x19000] =	vst v63  }
0x54: {  	s21 =	simm.s32 $0x4800  }
0x55: {  	[tilespmem:s21], [sflag:$0x1] =	stream.indirect_vreg.gather [hbm4b:s15+s2], $0x80, v3, vm0, $0xb8;
	[tilespmem:$0x19000] =	vst v63  }
0x56: {  	v3 =	vld [tilespmem:$0x20];
	_ =	sdelay $0x4  }
0x57: {  	v58 =	vshll.u32 v3, $0x5  }
0x58: {  	v3 =	vand.u32 $0x7, v3;
	v4 =	vand.u32 $0xFFFFFF00, v58  }
0x59: {  	v3 =	vor.u32 v3, v4  }
0x5a: {  	v4 =	vperm.xlane v3, v0;
	_ =	sdelay $0x1  }
0x5b: {  	v4 =	vadd.s32 v1, v4;
	_ =	sdelay $0x1  }
0x5c: {  	v3 =	vperm.xlane v3, v2;
	_ =	sdelay $0x1  }
0x5d: {  	s22 =	simm.s32 $0x5000;
	v3 =	vadd.s32 v1, v3  }
0x5e: {  	[tilespmem:s22], [sflag:$0x1] =	stream.indirect_vreg.gather [hbm4b:s5+s2], $0x80, v4, vm0, $0xb8;
	[tilespmem:$0x19000] =	vst v63  }
0x5f: {  	s21 =	simm.s32 $0x5800  }
0x60: {  	[tilespmem:s21], [sflag:$0x1] =	stream.indirect_vreg.gather [hbm4b:s15+s2], $0x80, v4, vm0, $0xb8;
	[tilespmem:$0x19000] =	vst v63  }
0x61: {  	s22 =	simm.s32 $0x6000  }
0x62: {  	[tilespmem:s22], [sflag:$0x1] =	stream.indirect_vreg.gather [hbm4b:s5+s2], $0x80, v3, vm0, $0xb8;
	[tilespmem:$0x19000] =	vst v63  }
0x63: {  	s21 =	simm.s32 $0x6800  }
0x64: {  	[tilespmem:s21], [sflag:$0x1] =	stream.indirect_vreg.gather [hbm4b:s15+s2], $0x80, v3, vm0, $0xb8;
	[tilespmem:$0x19000] =	vst v63  }
0x65: {  	v3 =	vld [tilespmem:$0x30];
	_ =	sdelay $0x4  }
0x66: {  	v59 =	vshll.u32 v3, $0x5  }
0x67: {  	v3 =	vand.u32 $0x7, v3;
	v4 =	vand.u32 $0xFFFFFF00, v59  }
0x68: {  	v3 =	vor.u32 v3, v4  }
0x69: {  	v4 =	vperm.xlane v3, v0;
	_ =	sdelay $0x1  }
0x6a: {  	v4 =	vadd.s32 v1, v4;
	_ =	sdelay $0x1  }
0x6b: {  	v3 =	vperm.xlane v3, v2;
	_ =	sdelay $0x1  }
0x6c: {  	s22 =	simm.s32 $0x7000;
	v3 =	vadd.s32 v1, v3  }
0x6d: {  	[tilespmem:s22], [sflag:$0x1] =	stream.indirect_vreg.gather [hbm4b:s5+s2], $0x80, v4, vm0, $0xb8;
	[tilespmem:$0x19000] =	vst v63  }
0x6e: {  	s21 =	simm.s32 $0x7800  }
0x6f: {  	[tilespmem:s21], [sflag:$0x1] =	stream.indirect_vreg.gather [hbm4b:s15+s2], $0x80, v4, vm0, $0xb8;
	[tilespmem:$0x19000] =	vst v63  }
0x70: {  	s22 =	simm.s32 $0x8000  }
0x71: {  	[tilespmem:s22], [sflag:$0x1] =	stream.indirect_vreg.gather [hbm4b:s5+s2], $0x80, v3, vm0, $0xb8;
	[tilespmem:$0x19000] =	vst v63  }
0x72: {  	s21 =	simm.s32 $0x8800  }
0x73: {  	[tilespmem:s21], [sflag:$0x1] =	stream.indirect_vreg.gather [hbm4b:s15+s2], $0x80, v3, vm0, $0xb8;
	[tilespmem:$0x19000] =	vst v63  }
0x74: {  	v3 =	vld [tilespmem:$0x40];
	_ =	sdelay $0x4  }
0x75: {  	v60 =	vshll.u32 v3, $0x5  }
0x76: {  	v3 =	vand.u32 $0x7, v3;
	v4 =	vand.u32 $0xFFFFFF00, v60  }
0x77: {  	v3 =	vor.u32 v3, v4  }
0x78: {  	v4 =	vperm.xlane v3, v0;
	_ =	sdelay $0x1  }
0x79: {  	v4 =	vadd.s32 v1, v4;
	_ =	sdelay $0x1  }
0x7a: {  	v3 =	vperm.xlane v3, v2;
	_ =	sdelay $0x1  }
0x7b: {  	v3 =	vadd.s32 v1, v3  }
0x7c: {  	[tilespmem:s1], [sflag:$0x2] =	stream.indirect_vreg.gather [hbm4b:s5+s2], $0x80, v4, vm0, $0xb8;
	[tilespmem:$0x19000] =	vst v63  }
0x7d: {  	s22 =	simm.s32 $0x9800  }
0x7e: {  	[tilespmem:s22], [sflag:$0x2] =	stream.indirect_vreg.gather [hbm4b:s15+s2], $0x80, v4, vm0, $0xb8;
	[tilespmem:$0x19000] =	vst v63  }
0x7f: {  	s21 =	simm.s32 $0xA000  }
0x80: {  	[tilespmem:s21], [sflag:$0x2] =	stream.indirect_vreg.gather [hbm4b:s5+s2], $0x80, v3, vm0, $0xb8;
	[tilespmem:$0x19000] =	vst v63  }
0x81: {  	s22 =	simm.s32 $0xA800  }
0x82: {  	[tilespmem:s22], [sflag:$0x2] =	stream.indirect_vreg.gather [hbm4b:s15+s2], $0x80, v3, vm0, $0xb8;
	[tilespmem:$0x19000] =	vst v63  }
0x83: {  	v3 =	vld [tilespmem:$0x50];
	_ =	sdelay $0x4  }
0x84: {  	v61 =	vshll.u32 v3, $0x5  }
0x85: {  	v3 =	vand.u32 $0x7, v3;
	v4 =	vand.u32 $0xFFFFFF00, v61  }
0x86: {  	v3 =	vor.u32 v3, v4  }
0x87: {  	v4 =	vperm.xlane v3, v0;
	_ =	sdelay $0x1  }
0x88: {  	v4 =	vadd.s32 v1, v4;
	_ =	sdelay $0x1  }
0x89: {  	v3 =	vperm.xlane v3, v2;
	_ =	sdelay $0x1  }
0x8a: {  	s21 =	simm.s32 $0xB000;
	v3 =	vadd.s32 v1, v3  }
0x8b: {  	[tilespmem:s21], [sflag:$0x2] =	stream.indirect_vreg.gather [hbm4b:s5+s2], $0x80, v4, vm0, $0xb8;
	[tilespmem:$0x19000] =	vst v63  }
0x8c: {  	s22 =	simm.s32 $0xB800  }
0x8d: {  	[tilespmem:s22], [sflag:$0x2] =	stream.indirect_vreg.gather [hbm4b:s15+s2], $0x80, v4, vm0, $0xb8;
	[tilespmem:$0x19000] =	vst v63  }
0x8e: {  	s21 =	simm.s32 $0xC000  }
0x8f: {  	[tilespmem:s21], [sflag:$0x2] =	stream.indirect_vreg.gather [hbm4b:s5+s2], $0x80, v3, vm0, $0xb8;
	[tilespmem:$0x19000] =	vst v63  }
0x90: {  	s22 =	simm.s32 $0xC800  }
0x91: {  	[tilespmem:s22], [sflag:$0x2] =	stream.indirect_vreg.gather [hbm4b:s15+s2], $0x80, v3, vm0, $0xb8;
	[tilespmem:$0x19000] =	vst v63  }
0x92: {  	v3 =	vld [tilespmem:$0x60];
	_ =	sdelay $0x4  }
0x93: {  	v62 =	vshll.u32 v3, $0x5  }
0x94: {  	v3 =	vand.u32 $0x7, v3;
	v4 =	vand.u32 $0xFFFFFF00, v62  }
0x95: {  	v3 =	vor.u32 v3, v4  }
0x96: {  	v4 =	vperm.xlane v3, v0;
	_ =	sdelay $0x1  }
0x97: {  	v4 =	vadd.s32 v1, v4;
	_ =	sdelay $0x1  }
0x98: {  	v3 =	vperm.xlane v3, v2;
	_ =	sdelay $0x1  }
0x99: {  	s21 =	simm.s32 $0xD000;
	v3 =	vadd.s32 v1, v3  }
0x9a: {  	[tilespmem:s21], [sflag:$0x2] =	stream.indirect_vreg.gather [hbm4b:s5+s2], $0x80, v4, vm0, $0xb8;
	[tilespmem:$0x19000] =	vst v63  }
0x9b: {  	s22 =	simm.s32 $0xD800  }
0x9c: {  	[tilespmem:s22], [sflag:$0x2] =	stream.indirect_vreg.gather [hbm4b:s15+s2], $0x80, v4, vm0, $0xb8;
	[tilespmem:$0x19000] =	vst v63  }
0x9d: {  	s21 =	simm.s32 $0xE000  }
0x9e: {  	[tilespmem:s21], [sflag:$0x2] =	stream.indirect_vreg.gather [hbm4b:s5+s2], $0x80, v3, vm0, $0xb8;
	[tilespmem:$0x19000] =	vst v63  }
0x9f: {  	s22 =	simm.s32 $0xE800  }
0xa0: {  	[tilespmem:s22], [sflag:$0x2] =	stream.indirect_vreg.gather [hbm4b:s15+s2], $0x80, v3, vm0, $0xb8;
	[tilespmem:$0x19000] =	vst v63  }
0xa1: {  	v3 =	vld [tilespmem:$0x70];
	_ =	sdelay $0x4  }
0xa2: {  	v63 =	vshll.u32 v3, $0x5  }
0xa3: {  	v3 =	vand.u32 $0x7, v3;
	v4 =	vand.u32 $0xFFFFFF00, v63  }
0xa4: {  	v3 =	vor.u32 v3, v4  }
0xa5: {  	v4 =	vperm.xlane v3, v0;
	_ =	sdelay $0x1  }
0xa6: {  	v4 =	vadd.s32 v1, v4;
	_ =	sdelay $0x1  }
0xa7: {  	v3 =	vperm.xlane v3, v2;
	_ =	sdelay $0x1  }
0xa8: {  	s21 =	simm.s32 $0xF000;
	v3 =	vadd.s32 v1, v3  }
0xa9: {  	[tilespmem:s21], [sflag:$0x2] =	stream.indirect_vreg.gather [hbm4b:s5+s2], $0x80, v4, vm0, $0xb8;
	[tilespmem:$0x19000] =	vst v63  }
0xaa: {  	s22 =	simm.s32 $0xF800  }
0xab: {  	[tilespmem:s22], [sflag:$0x2] =	stream.indirect_vreg.gather [hbm4b:s15+s2], $0x80, v4, vm0, $0xb8;
	[tilespmem:$0x19000] =	vst v63  }
0xac: {  	s21 =	simm.s32 $0x10000  }
0xad: {  	[tilespmem:s21], [sflag:$0x2] =	stream.indirect_vreg.gather [hbm4b:s5+s2], $0x80, v3, vm0, $0xb8;
	[tilespmem:$0x19000] =	vst v63  }
0xae: {  	s11 =	simm.s32 $0xA0;
	s22 =	simm.s32 $0x10800;
	s21 =	simm.s32 $0x0  }
0xaf: {  	[tilespmem:s22], [sflag:$0x2] =	stream.indirect_vreg.gather [hbm4b:s15+s2], $0x80, v3, vm0, $0xb8;
	[tilespmem:$0x19000] =	vst v63  }
.LBB2_2:
0xb0: {  	_ =	swait.ge [sflag:s3], $0x8000  }
0xb1: {  	[sflag:s3] =	ssyncset.done $0x0  }
0xb2: {  	s22 =	sadd.s32 s21, s9;
	p0 =	seq.s32 s21, $0x0;
	[sflag:s3] =	ssyncadd.s32 $0xFFFF8000  }
0xb3: {  	[hbm4b:s22+s2] =	stream.linear.scatter [tilespmem:s14], [sflag:$0x4], $0x8000, $0x38;
	[tilespmem:$0x19000] =	vst v63  }
0xb4: {  	s22 =	simm.s32 @!p0 $0x6  }
0xb5: {  	_ =	swait.ge @!p0 [sflag:s22], $0x8000  }
0xb6: {  	[sflag:s22] =	ssyncset.done @!p0 $0x0  }
0xb7: {  	[sflag:s22] =	ssyncadd.s32 @!p0 $0xFFFF8000  }
0xb8: {  	v3 =	vld [tilespmem:s11+$0xFFFFFFE0];
	_ =	sdelay $0x4  }
0xb9: {  	v4 =	vshll.u32 v3, $0x5  }
0xba: {  	v3 =	vand.u32 $0x7, v3;
	v4 =	vand.u32 $0xFFFFFF00, v4  }
0xbb: {  	v3 =	vor.u32 v3, v4  }
0xbc: {  	v4 =	vperm.xlane v3, v0;
	_ =	sdelay $0x1  }
0xbd: {  	v4 =	vadd.s32 v1, v4;
	_ =	sdelay $0x1  }
0xbe: {  	v3 =	vperm.xlane v3, v2;
	_ =	sdelay $0x1  }
0xbf: {  	v3 =	vadd.s32 v1, v3  }
0xc0: {  	[tilespmem:s12], [sflag:$0x3] =	stream.indirect_vreg.gather [hbm4b:s5+s2], $0x80, v4, vm0, $0xb8;
	[tilespmem:$0x19000] =	vst v63  }
0xc1: {  	s22 =	simm.s32 $0x11800  }
0xc2: {  	[tilespmem:s22], [sflag:$0x3] =	stream.indirect_vreg.gather [hbm4b:s15+s2], $0x80, v4, vm0, $0xb8;
	[tilespmem:$0x19000] =	vst v63  }
0xc3: {  	_ = 	snop  }
0xc4: {  	[tilespmem:s23], [sflag:$0x3] =	stream.indirect_vreg.gather [hbm4b:s5+s2], $0x80, v3, vm0, $0xb8;
	[tilespmem:$0x19000] =	vst v63  }
0xc5: {  	_ = 	snop  }
0xc6: {  	[tilespmem:s4], [sflag:$0x3] =	stream.indirect_vreg.gather [hbm4b:s15+s2], $0x80, v3, vm0, $0xb8;
	[tilespmem:$0x19000] =	vst v63  }
0xc7: {  	v3 =	vld [tilespmem:s11+$0xFFFFFFF0];
	_ =	sdelay $0x4  }
0xc8: {  	v57 =	vshll.u32 v3, $0x5  }
0xc9: {  	v3 =	vand.u32 $0x7, v3;
	v4 =	vand.u32 $0xFFFFFF00, v57  }
0xca: {  	v3 =	vor.u32 v3, v4  }
0xcb: {  	v4 =	vperm.xlane v3, v0;
	_ =	sdelay $0x1  }
0xcc: {  	v4 =	vadd.s32 v1, v4;
	_ =	sdelay $0x1  }
0xcd: {  	v3 =	vperm.xlane v3, v2;
	_ =	sdelay $0x1  }
0xce: {  	v3 =	vadd.s32 v1, v3  }
0xcf: {  	[tilespmem:s24], [sflag:$0x3] =	stream.indirect_vreg.gather [hbm4b:s5+s2], $0x80, v4, vm0, $0xb8;
	[tilespmem:$0x19000] =	vst v63  }
0xd0: {  	_ = 	snop  }
0xd1: {  	[tilespmem:s6], [sflag:$0x3] =	stream.indirect_vreg.gather [hbm4b:s15+s2], $0x80, v4, vm0, $0xb8;
	[tilespmem:$0x19000] =	vst v63  }
0xd2: {  	_ = 	snop  }
0xd3: {  	[tilespmem:s25], [sflag:$0x3] =	stream.indirect_vreg.gather [hbm4b:s5+s2], $0x80, v3, vm0, $0xb8;
	[tilespmem:$0x19000] =	vst v63  }
0xd4: {  	_ = 	snop  }
0xd5: {  	[tilespmem:s7], [sflag:$0x3] =	stream.indirect_vreg.gather [hbm4b:s15+s2], $0x80, v3, vm0, $0xb8;
	[tilespmem:$0x19000] =	vst v63  }
0xd6: {  	v3 =	vld [tilespmem:s11+$0x0];
	_ =	sdelay $0x4  }
0xd7: {  	v58 =	vshll.u32 v3, $0x5  }
0xd8: {  	v3 =	vand.u32 $0x7, v3;
	v4 =	vand.u32 $0xFFFFFF00, v58  }
0xd9: {  	v3 =	vor.u32 v3, v4  }
0xda: {  	v4 =	vperm.xlane v3, v0;
	_ =	sdelay $0x1  }
0xdb: {  	v4 =	vadd.s32 v1, v4;
	_ =	sdelay $0x1  }
0xdc: {  	v3 =	vperm.xlane v3, v2;
	_ =	sdelay $0x1  }
0xdd: {  	v3 =	vadd.s32 v1, v3  }
0xde: {  	[tilespmem:s26], [sflag:$0x3] =	stream.indirect_vreg.gather [hbm4b:s5+s2], $0x80, v4, vm0, $0xb8;
	[tilespmem:$0x19000] =	vst v63  }
0xdf: {  	_ = 	snop  }
0xe0: {  	[tilespmem:s13], [sflag:$0x3] =	stream.indirect_vreg.gather [hbm4b:s15+s2], $0x80, v4, vm0, $0xb8;
	[tilespmem:$0x19000] =	vst v63  }
0xe1: {  	_ = 	snop  }
0xe2: {  	[tilespmem:s28], [sflag:$0x3] =	stream.indirect_vreg.gather [hbm4b:s5+s2], $0x80, v3, vm0, $0xb8;
	[tilespmem:$0x19000] =	vst v63  }
0xe3: {  	_ = 	snop  }
0xe4: {  	[tilespmem:s16], [sflag:$0x3] =	stream.indirect_vreg.gather [hbm4b:s15+s2], $0x80, v3, vm0, $0xb8;
	[tilespmem:$0x19000] =	vst v63  }
0xe5: {  	v3 =	vld [tilespmem:s11+$0x10];
	_ =	sdelay $0x4  }
0xe6: {  	v59 =	vshll.u32 v3, $0x5  }
0xe7: {  	v3 =	vand.u32 $0x7, v3;
	v4 =	vand.u32 $0xFFFFFF00, v59  }
0xe8: {  	v3 =	vor.u32 v3, v4  }
0xe9: {  	v4 =	vperm.xlane v3, v0;
	_ =	sdelay $0x1  }
0xea: {  	v4 =	vadd.s32 v1, v4;
	_ =	sdelay $0x1  }
0xeb: {  	v3 =	vperm.xlane v3, v2;
	_ =	sdelay $0x1  }
0xec: {  	v3 =	vadd.s32 v1, v3  }
0xed: {  	[tilespmem:s29], [sflag:$0x3] =	stream.indirect_vreg.gather [hbm4b:s5+s2], $0x80, v4, vm0, $0xb8;
	[tilespmem:$0x19000] =	vst v63  }
0xee: {  	_ = 	snop  }
0xef: {  	[tilespmem:s17], [sflag:$0x3] =	stream.indirect_vreg.gather [hbm4b:s15+s2], $0x80, v4, vm0, $0xb8;
	[tilespmem:$0x19000] =	vst v63  }
0xf0: {  	_ = 	snop  }
0xf1: {  	[tilespmem:s30], [sflag:$0x3] =	stream.indirect_vreg.gather [hbm4b:s5+s2], $0x80, v3, vm0, $0xb8;
	[tilespmem:$0x19000] =	vst v63  }
0xf2: {  	_ = 	snop  }
0xf3: {  	[tilespmem:s18], [sflag:$0x3] =	stream.indirect_vreg.gather [hbm4b:s15+s2], $0x80, v3, vm0, $0xb8;
	[tilespmem:$0x19000] =	vst v63  }
0xf4: {  	_ =	swait.ge [sflag:s31], $0x8000  }
0xf5: {  	[sflag:s31] =	ssyncset.done $0x0  }
0xf6: {  	s22 =	sadd.s32 s21, s8;
	[sflag:s31] =	ssyncadd.s32 $0xFFFF8000  }
0xf7: {  	[hbm4b:s22+s2] =	stream.linear.scatter [tilespmem:s1], [sflag:$0x5], $0x8000, $0x38;
	[tilespmem:$0x19000] =	vst v63  }
0xf8: {  	_ =	swait.ge [sflag:s19], $0x8000  }
0xf9: {  	[sflag:s19] =	ssyncset.done $0x0  }
0xfa: {  	[sflag:s19] =	ssyncadd.s32 $0xFFFF8000  }
0xfb: {  	v3 =	vld [tilespmem:s11+$0x20];
	_ =	sdelay $0x4  }
0xfc: {  	v60 =	vshll.u32 v3, $0x5  }
0xfd: {  	v3 =	vand.u32 $0x7, v3;
	v4 =	vand.u32 $0xFFFFFF00, v60  }
0xfe: {  	v3 =	vor.u32 v3, v4  }
0xff: {  	v4 =	vperm.xlane v3, v0;
	_ =	sdelay $0x1  }
0x100: {  	v4 =	vadd.s32 v1, v4;
	_ =	sdelay $0x1  }
0x101: {  	v3 =	vperm.xlane v3, v2;
	_ =	sdelay $0x1  }
0x102: {  	v3 =	vadd.s32 v1, v3  }
0x103: {  	[tilespmem:s14], [sflag:$0x1] =	stream.indirect_vreg.gather [hbm4b:s5+s2], $0x80, v4, vm0, $0xb8;
	[tilespmem:$0x19000] =	vst v63  }
0x104: {  	s22 =	simm.s32 $0x1800  }
0x105: {  	[tilespmem:s22], [sflag:$0x1] =	stream.indirect_vreg.gather [hbm4b:s15+s2], $0x80, v4, vm0, $0xb8;
	[tilespmem:$0x19000] =	vst v63  }
0x106: {  	s22 =	simm.s32 $0x2000  }
0x107: {  	[tilespmem:s22], [sflag:$0x1] =	stream.indirect_vreg.gather [hbm4b:s5+s2], $0x80, v3, vm0, $0xb8;
	[tilespmem:$0x19000] =	vst v63  }
0x108: {  	s22 =	simm.s32 $0x2800  }
0x109: {  	[tilespmem:s22], [sflag:$0x1] =	stream.indirect_vreg.gather [hbm4b:s15+s2], $0x80, v3, vm0, $0xb8;
	[tilespmem:$0x19000] =	vst v63  }
0x10a: {  	v3 =	vld [tilespmem:s11+$0x30];
	_ =	sdelay $0x4  }
0x10b: {  	v61 =	vshll.u32 v3, $0x5  }
0x10c: {  	v3 =	vand.u32 $0x7, v3;
	v4 =	vand.u32 $0xFFFFFF00, v61  }
0x10d: {  	v3 =	vor.u32 v3, v4  }
0x10e: {  	v4 =	vperm.xlane v3, v0;
	_ =	sdelay $0x1  }
0x10f: {  	v4 =	vadd.s32 v1, v4;
	_ =	sdelay $0x1  }
0x110: {  	v3 =	vperm.xlane v3, v2;
	_ =	sdelay $0x1  }
0x111: {  	s22 =	simm.s32 $0x3000;
	v3 =	vadd.s32 v1, v3  }
0x112: {  	[tilespmem:s22], [sflag:$0x1] =	stream.indirect_vreg.gather [hbm4b:s5+s2], $0x80, v4, vm0, $0xb8;
	[tilespmem:$0x19000] =	vst v63  }
0x113: {  	s22 =	simm.s32 $0x3800  }
0x114: {  	[tilespmem:s22], [sflag:$0x1] =	stream.indirect_vreg.gather [hbm4b:s15+s2], $0x80, v4, vm0, $0xb8;
	[tilespmem:$0x19000] =	vst v63  }
0x115: {  	s22 =	simm.s32 $0x4000  }
0x116: {  	[tilespmem:s22], [sflag:$0x1] =	stream.indirect_vreg.gather [hbm4b:s5+s2], $0x80, v3, vm0, $0xb8;
	[tilespmem:$0x19000] =	vst v63  }
0x117: {  	s22 =	simm.s32 $0x4800  }
0x118: {  	[tilespmem:s22], [sflag:$0x1] =	stream.indirect_vreg.gather [hbm4b:s15+s2], $0x80, v3, vm0, $0xb8;
	[tilespmem:$0x19000] =	vst v63  }
0x119: {  	v3 =	vld [tilespmem:s11+$0x40];
	_ =	sdelay $0x4  }
0x11a: {  	v62 =	vshll.u32 v3, $0x5  }
0x11b: {  	v3 =	vand.u32 $0x7, v3;
	v4 =	vand.u32 $0xFFFFFF00, v62  }
0x11c: {  	v3 =	vor.u32 v3, v4  }
0x11d: {  	v4 =	vperm.xlane v3, v0;
	_ =	sdelay $0x1  }
0x11e: {  	v4 =	vadd.s32 v1, v4;
	_ =	sdelay $0x1  }
0x11f: {  	v3 =	vperm.xlane v3, v2;
	_ =	sdelay $0x1  }
0x120: {  	s22 =	simm.s32 $0x5000;
	v3 =	vadd.s32 v1, v3  }
0x121: {  	[tilespmem:s22], [sflag:$0x1] =	stream.indirect_vreg.gather [hbm4b:s5+s2], $0x80, v4, vm0, $0xb8;
	[tilespmem:$0x19000] =	vst v63  }
0x122: {  	s22 =	simm.s32 $0x5800  }
0x123: {  	[tilespmem:s22], [sflag:$0x1] =	stream.indirect_vreg.gather [hbm4b:s15+s2], $0x80, v4, vm0, $0xb8;
	[tilespmem:$0x19000] =	vst v63  }
0x124: {  	s22 =	simm.s32 $0x6000  }
0x125: {  	[tilespmem:s22], [sflag:$0x1] =	stream.indirect_vreg.gather [hbm4b:s5+s2], $0x80, v3, vm0, $0xb8;
	[tilespmem:$0x19000] =	vst v63  }
0x126: {  	s22 =	simm.s32 $0x6800  }
0x127: {  	[tilespmem:s22], [sflag:$0x1] =	stream.indirect_vreg.gather [hbm4b:s15+s2], $0x80, v3, vm0, $0xb8;
	[tilespmem:$0x19000] =	vst v63  }
0x128: {  	v3 =	vld [tilespmem:s11+$0x50];
	_ =	sdelay $0x4  }
0x129: {  	v63 =	vshll.u32 v3, $0x5  }
0x12a: {  	v3 =	vand.u32 $0x7, v3;
	v4 =	vand.u32 $0xFFFFFF00, v63  }
0x12b: {  	v3 =	vor.u32 v3, v4  }
0x12c: {  	v4 =	vperm.xlane v3, v0;
	_ =	sdelay $0x1  }
0x12d: {  	v4 =	vadd.s32 v1, v4;
	_ =	sdelay $0x1  }
0x12e: {  	v3 =	vperm.xlane v3, v2;
	_ =	sdelay $0x1  }
0x12f: {  	s22 =	simm.s32 $0x7000;
	v3 =	vadd.s32 v1, v3  }
0x130: {  	[tilespmem:s22], [sflag:$0x1] =	stream.indirect_vreg.gather [hbm4b:s5+s2], $0x80, v4, vm0, $0xb8;
	[tilespmem:$0x19000] =	vst v63  }
0x131: {  	s22 =	simm.s32 $0x7800  }
0x132: {  	[tilespmem:s22], [sflag:$0x1] =	stream.indirect_vreg.gather [hbm4b:s15+s2], $0x80, v4, vm0, $0xb8;
	[tilespmem:$0x19000] =	vst v63  }
0x133: {  	s22 =	simm.s32 $0x8000  }
0x134: {  	[tilespmem:s22], [sflag:$0x1] =	stream.indirect_vreg.gather [hbm4b:s5+s2], $0x80, v3, vm0, $0xb8;
	[tilespmem:$0x19000] =	vst v63  }
0x135: {  	p0 =	seq.s32 s21, $0x3C000;
	s22 =	simm.s32 $0x8800  }
0x136: {  	[tilespmem:s22], [sflag:$0x1] =	stream.indirect_vreg.gather [hbm4b:s15+s2], $0x80, v3, vm0, $0xb8;
	[tilespmem:$0x19000] =	vst v63  }
.Ltmp2:
0x137: {  	_ = 	snop;
	(pc) =	sbr.rel @p0 .LBB2_4-.Ltmp2, $4  }
0x138: {  	_ =	swait.ge [sflag:s0], $0x8000  }
0x139: {  	[sflag:s0] =	ssyncset.done $0x0  }
0x13a: {  	s22 =	sadd.s32 s21, s10;
	[sflag:s0] =	ssyncadd.s32 $0xFFFF8000  }
0x13b: {  	[hbm4b:s22+s2] =	stream.linear.scatter [tilespmem:s12], [sflag:$0x6], $0x8000, $0x38;
	[tilespmem:$0x19000] =	vst v63  }
0x13c: {  	_ =	swait.ge [sflag:s20], $0x8000  }
0x13d: {  	[sflag:s20] =	ssyncset.done $0x0  }
0x13e: {  	[sflag:s20] =	ssyncadd.s32 $0xFFFF8000  }
0x13f: {  	v3 =	vld [tilespmem:s11+$0x60];
	_ =	sdelay $0x4  }
0x140: {  	v4 =	vshll.u32 v3, $0x5  }
0x141: {  	v3 =	vand.u32 $0x7, v3;
	v4 =	vand.u32 $0xFFFFFF00, v4  }
0x142: {  	v3 =	vor.u32 v3, v4  }
0x143: {  	v4 =	vperm.xlane v3, v0;
	_ =	sdelay $0x1  }
0x144: {  	v4 =	vadd.s32 v1, v4;
	_ =	sdelay $0x1  }
0x145: {  	v3 =	vperm.xlane v3, v2;
	_ =	sdelay $0x1  }
0x146: {  	v3 =	vadd.s32 v1, v3  }
0x147: {  	[tilespmem:s1], [sflag:$0x2] =	stream.indirect_vreg.gather [hbm4b:s5+s2], $0x80, v4, vm0, $0xb8;
	[tilespmem:$0x19000] =	vst v63  }
0x148: {  	s22 =	simm.s32 $0x9800  }
0x149: {  	[tilespmem:s22], [sflag:$0x2] =	stream.indirect_vreg.gather [hbm4b:s15+s2], $0x80, v4, vm0, $0xb8;
	[tilespmem:$0x19000] =	vst v63  }
0x14a: {  	s22 =	simm.s32 $0xA000  }
0x14b: {  	[tilespmem:s22], [sflag:$0x2] =	stream.indirect_vreg.gather [hbm4b:s5+s2], $0x80, v3, vm0, $0xb8;
	[tilespmem:$0x19000] =	vst v63  }
0x14c: {  	s22 =	simm.s32 $0xA800  }
0x14d: {  	[tilespmem:s22], [sflag:$0x2] =	stream.indirect_vreg.gather [hbm4b:s15+s2], $0x80, v3, vm0, $0xb8;
	[tilespmem:$0x19000] =	vst v63  }
0x14e: {  	v3 =	vld [tilespmem:s11+$0x70];
	_ =	sdelay $0x4  }
0x14f: {  	v61 =	vshll.u32 v3, $0x5  }
0x150: {  	v3 =	vand.u32 $0x7, v3;
	v4 =	vand.u32 $0xFFFFFF00, v61  }
0x151: {  	v3 =	vor.u32 v3, v4  }
0x152: {  	v4 =	vperm.xlane v3, v0;
	_ =	sdelay $0x1  }
0x153: {  	v4 =	vadd.s32 v1, v4;
	_ =	sdelay $0x1  }
0x154: {  	v3 =	vperm.xlane v3, v2;
	_ =	sdelay $0x1  }
0x155: {  	s22 =	simm.s32 $0xB000;
	v3 =	vadd.s32 v1, v3  }
0x156: {  	[tilespmem:s22], [sflag:$0x2] =	stream.indirect_vreg.gather [hbm4b:s5+s2], $0x80, v4, vm0, $0xb8;
	[tilespmem:$0x19000] =	vst v63  }
0x157: {  	s22 =	simm.s32 $0xB800  }
0x158: {  	[tilespmem:s22], [sflag:$0x2] =	stream.indirect_vreg.gather [hbm4b:s15+s2], $0x80, v4, vm0, $0xb8;
	[tilespmem:$0x19000] =	vst v63  }
0x159: {  	s22 =	simm.s32 $0xC000  }
0x15a: {  	[tilespmem:s22], [sflag:$0x2] =	stream.indirect_vreg.gather [hbm4b:s5+s2], $0x80, v3, vm0, $0xb8;
	[tilespmem:$0x19000] =	vst v63  }
0x15b: {  	s22 =	simm.s32 $0xC800  }
0x15c: {  	[tilespmem:s22], [sflag:$0x2] =	stream.indirect_vreg.gather [hbm4b:s15+s2], $0x80, v3, vm0, $0xb8;
	[tilespmem:$0x19000] =	vst v63  }
0x15d: {  	v3 =	vld [tilespmem:s11+$0x80];
	_ =	sdelay $0x4  }
0x15e: {  	v62 =	vshll.u32 v3, $0x5  }
0x15f: {  	v3 =	vand.u32 $0x7, v3;
	v4 =	vand.u32 $0xFFFFFF00, v62  }
0x160: {  	v3 =	vor.u32 v3, v4  }
0x161: {  	v4 =	vperm.xlane v3, v0;
	_ =	sdelay $0x1  }
0x162: {  	v4 =	vadd.s32 v1, v4;
	_ =	sdelay $0x1  }
0x163: {  	v3 =	vperm.xlane v3, v2;
	_ =	sdelay $0x1  }
0x164: {  	s22 =	simm.s32 $0xD000;
	v3 =	vadd.s32 v1, v3  }
0x165: {  	[tilespmem:s22], [sflag:$0x2] =	stream.indirect_vreg.gather [hbm4b:s5+s2], $0x80, v4, vm0, $0xb8;
	[tilespmem:$0x19000] =	vst v63  }
0x166: {  	s22 =	simm.s32 $0xD800  }
0x167: {  	[tilespmem:s22], [sflag:$0x2] =	stream.indirect_vreg.gather [hbm4b:s15+s2], $0x80, v4, vm0, $0xb8;
	[tilespmem:$0x19000] =	vst v63  }
0x168: {  	s22 =	simm.s32 $0xE000  }
0x169: {  	[tilespmem:s22], [sflag:$0x2] =	stream.indirect_vreg.gather [hbm4b:s5+s2], $0x80, v3, vm0, $0xb8;
	[tilespmem:$0x19000] =	vst v63  }
0x16a: {  	s22 =	simm.s32 $0xE800  }
0x16b: {  	[tilespmem:s22], [sflag:$0x2] =	stream.indirect_vreg.gather [hbm4b:s15+s2], $0x80, v3, vm0, $0xb8;
	[tilespmem:$0x19000] =	vst v63  }
0x16c: {  	v3 =	vld [tilespmem:s11+$0x90];
	_ =	sdelay $0x4  }
0x16d: {  	v63 =	vshll.u32 v3, $0x5  }
0x16e: {  	v3 =	vand.u32 $0x7, v3;
	v4 =	vand.u32 $0xFFFFFF00, v63  }
0x16f: {  	v3 =	vor.u32 v3, v4  }
0x170: {  	v4 =	vperm.xlane v3, v0;
	_ =	sdelay $0x1  }
0x171: {  	v4 =	vadd.s32 v1, v4;
	_ =	sdelay $0x2  }
0x172: {  	v3 =	vperm.xlane v3, v2  }
0x173: {  	s22 =	simm.s32 $0xF000  }
0x174: {  	v3 =	vadd.s32 v1, v3;
	[tilespmem:s22], [sflag:$0x2] =	stream.indirect_vreg.gather [hbm4b:s5+s2], $0x80, v4, vm0, $0xb8;
	[tilespmem:$0x19000] =	vst v63  }
0x175: {  	s22 =	simm.s32 $0xF800  }
0x176: {  	[tilespmem:s22], [sflag:$0x2] =	stream.indirect_vreg.gather [hbm4b:s15+s2], $0x80, v4, vm0, $0xb8;
	[tilespmem:$0x19000] =	vst v63  }
.Ltmp3:
0x177: {  	_ = 	snop;
	(pc) =	sbr.rel .LBB2_2-.Ltmp3, $4  }
0x178: {  	s22 =	simm.s32 $0x10000  }
0x179: {  	[tilespmem:s22], [sflag:$0x2] =	stream.indirect_vreg.gather [hbm4b:s5+s2], $0x80, v3, vm0, $0xb8;
	[tilespmem:$0x19000] =	vst v63  }
0x17a: {  	s21 =	sadd.s32 $0x3000, s21;
	s11 =	sadd.s32 $0xC0, s11;
	s22 =	simm.s32 $0x10800  }
0x17b: {  	[tilespmem:s22], [sflag:$0x2] =	stream.indirect_vreg.gather [hbm4b:s15+s2], $0x80, v3, vm0, $0xb8;
	[tilespmem:$0x19000] =	vst v63  }
.LBB2_5:
0x17c: {  	_ =	sfence.sel $0x180000  }
0x17d: {  	[bflag:$0x0] =	sbarrier.arrive $0xFFFF  }
0x17e: {  	_ =	strace $0x90000047  }
0x17f: {  	s0 =	stileid.u32;
	[bflag:$0x2] =	sbarrier.arrive $0xFFFF  }
0x180: {  	p0 =	sne.s32 s0, $0x0;
	s0 =	rddreg [dreg:$0x3]  }
0x181: {  	s0 =	sadd.s32 @!p0 $0x100000, s0  }
0x182: {  	[sflag:s0] =	ssyncadd.tile.s32 @!p0 $0x1;
	_ =	shalt  }
.Lfunc_end2:
_tile_overlayer_lowered:
.L_overlay_start_2:
0x183: {  	(tag) =	ssettag $0x2  }
0x184: {  	s0 =	rddreg [dreg:$0x0];
	s2 =	stileid.u32  }
0x185: {  	s1 =	rddreg [dreg:$0x1];
	p0 =	sne.s32 s2, $0x0  }
0x186: {  	s3 =	rddreg [dreg:$0x2];
	[bflag:$0x3] =	sbarrier.arrive $0xFFFF;
	s2 =	simm.s32 @!p0 $0x1C07  }
0x187: {  	[timem:s3], [sflag:s2] =	dma.local @!p0 [hbm:s0], s1  }
0x188: {  	s0 =	simm.s32 @!p0 $0x7  }
0x189: {  	_ =	swait.ge @!p0 [sflag:s0], s1  }
0x18a: {  	s1 =	ssub.s32 @!p0 $0x0, s1;
	[sflag:s0] =	ssyncset.done @!p0 $0x0  }
0x18b: {  	[sflag:s0] =	ssyncadd.s32 @!p0 s1  }
0x18c: {  	[bflag:$0x3] =	sbarrier.arrive $0xFFFF  }
0x18d: {  	_ =	shalt  }

</sc_bundles>
